<compile_context>
chip_gen: v7x
topology: tpu7x:2x2x1
jax: 0.10.2.dev20260603
libtpu: 0.0.44.dev20260713+nightly
codegen_flags: <defaults>
</compile_context>

<pallas_src>
import functools

import jax
import jax.numpy as jnp
from jax import lax
from jax.experimental import pallas as pl
from jax.experimental.pallas import tpu as pltpu
from jax.experimental.pallas import tpu_sc as plsc

NC = 2
NS = 16
NW = NC * NS
LANES = 16
DEPTH = 4


@functools.cache
def _build(B, T, D, V, NLANG):
    assert B % NW == 0
    nb_w = B // NW
    assert nb_w % DEPTH == 0
    groups = nb_w // DEPTH
    ch_a = min(128, T)
    ch_b = T - ch_a
    assert 0 < ch_b <= 128 and ch_a % 8 == 0 and T % 8 == 0
    ngroups_row = D // LANES

    mesh = plsc.VectorSubcoreMesh(core_axis_name="c", subcore_axis_name="s")

    def body(tok_hbm, lid_hbm, emb_hbm, lang_hbm, out_hbm,
             tok_v, lid_v, lrows_v, b0, b1, b2, b3,
             gs0, gs1, gs2, gs3, os0, os1, os2, os3, lsem):
        bufs = (b0, b1, b2, b3)
        gsems = (gs0, gs1, gs2, gs3)
        osems = (os0, os1, os2, os3)

        cid = lax.axis_index("c")
        sid = lax.axis_index("s")
        wid = sid * NC + cid
        tok_base = wid * (nb_w * T)
        b_base = wid * nb_w

        pltpu.sync_copy(tok_hbm.at[pl.ds(tok_base, nb_w * T)], tok_v)
        pltpu.sync_copy(lid_hbm.at[pl.ds(b_base, nb_w)], lid_v)
        pltpu.async_copy(lang_hbm.at[lid_v], lrows_v, lsem).wait()

        def issue_gather(lb, k):
            s0 = lb * T
            pltpu.async_copy(
                emb_hbm.at[tok_v.at[pl.ds(s0, ch_a)]],
                bufs[k].at[pl.ds(0, ch_a)], gsems[k])
            pltpu.async_copy(
                emb_hbm.at[tok_v.at[pl.ds(s0 + ch_a, ch_b)]],
                bufs[k].at[pl.ds(ch_a, ch_b)], gsems[k])

        def wait_gather(k):
            pltpu.make_async_copy(
                emb_hbm.at[tok_v.at[pl.ds(0, ch_a)]],
                bufs[k].at[pl.ds(0, ch_a)], gsems[k]).wait()
            pltpu.make_async_copy(
                emb_hbm.at[tok_v.at[pl.ds(0, ch_b)]],
                bufs[k].at[pl.ds(ch_a, ch_b)], gsems[k]).wait()

        def issue_out(lb, k):
            row0 = (b_base + lb) * T
            pltpu.async_copy(bufs[k], out_hbm.at[pl.ds(row0, T)], osems[k])

        def wait_out(k):
            pltpu.make_async_copy(
                bufs[k], out_hbm.at[pl.ds(0, T)], osems[k]).wait()

        def add_lang(lb, k):
            buf = bufs[k]
            lvs = [lrows_v[lb, pl.ds(LANES * j, LANES)]
                   for j in range(ngroups_row)]

            def row(r, carry):
                for j in range(ngroups_row):
                    sl = pl.ds(LANES * j, LANES)
                    buf[r, sl] = buf[r, sl] + lvs[j]
                return carry

            lax.fori_loop(0, T, row, 0)

        for k in range(DEPTH):
            issue_gather(k, k)

        def group(g, carry):
            for k in range(DEPTH):
                lb = g * DEPTH + k
                wait_gather(k)
                add_lang(lb, k)
                issue_out(lb, k)

                @pl.when(g < groups - 1)
                def _prefetch(lb=lb, k=k):
                    wait_out(k)
                    issue_gather(lb + DEPTH, k)
            return carry

        lax.fori_loop(0, groups, group, 0)

        for k in range(DEPTH):
            wait_out(k)

    return pl.kernel(
        body,
        out_type=jax.ShapeDtypeStruct((B * T, D), jnp.float32),
        mesh=mesh,
        scratch_types=[
            pltpu.VMEM((nb_w * T,), jnp.int32),
            pltpu.VMEM((nb_w,), jnp.int32),
            pltpu.VMEM((nb_w, D), jnp.float32),
            pltpu.VMEM((T, D), jnp.float32),
            pltpu.VMEM((T, D), jnp.float32),
            pltpu.VMEM((T, D), jnp.float32),
            pltpu.VMEM((T, D), jnp.float32),
        ] + [pltpu.SemaphoreType.DMA] * 9,
    )


def kernel(tokens, language_ids, embed_weight, lang_weight):
    B, T = tokens.shape
    V, D = embed_weight.shape
    tok_flat = tokens.reshape(-1).astype(jnp.int32)
    lid = language_ids.astype(jnp.int32)
    fn = _build(B, T, D, V, lang_weight.shape[0])
    out = fn(tok_flat, lid, embed_weight, lang_weight)
    return out.reshape(B, T, D)

# --- scband reference (transcript-rebuilt; emitter-appended) ---
"""Pipeline reference for scband-text-embedding-78039555768484 (READ-ONLY COPY).

The authoritative reference and input builder live on the scoring server;
editing this copy changes nothing except your own understanding.
"""

import jax, jax.numpy as jnp
import numpy as np

VOCAB = 100000
DIM = 128
NUM_LANG = 8
PAD_IDX = 0
B = 1024
T = 200

def setup_inputs(seed: int = 0) -> dict:
    key = jax.random.key(seed)
    k1, k2, k3, k4 = jax.random.split(key, 4)
    tokens = jax.random.randint(k1, (B, T), 0, VOCAB, dtype=jnp.int64 if jax.config.jax_enable_x64 else jnp.int32)
    language_ids = jax.random.randint(k2, (B,), 0, NUM_LANG, dtype=jnp.int64 if jax.config.jax_enable_x64 else jnp.int32)
    embed_weight = jax.random.normal(k3, (VOCAB, DIM), dtype=jnp.float32) * 0.02
    embed_weight = embed_weight.at[PAD_IDX].set(0.0)
    lang_weight = jax.random.normal(k4, (NUM_LANG, DIM), dtype=jnp.float32)
    return {"tokens": tokens, "language_ids": language_ids, "embed_weight": embed_weight, "lang_weight": lang_weight}


def reference(tokens, language_ids, embed_weight, lang_weight):
    # x = embed(tokens): gather rows from the embedding table
    x = jnp.take(embed_weight, tokens, axis=0)          # (B, T, D)
    # language embedding, broadcast over time dimension
    lang = jnp.take(lang_weight, language_ids, axis=0)  # (B, D)
    x = x + lang[:, None, :]
    # dropout p=0.0 -> identity
    return x

if __name__ == "__main__":
    import jax
    _d = setup_inputs()
    print(jax.jit(kernel)(*tuple(_d.values())))

</pallas_src>

<mosaic_0001>
#map = affine_map<(d0, d1) -> (0)>
#map1 = affine_map<(d0, d1) -> (0, 0)>
module attributes {stable_mosaic.version = 14 : i64} {
  func.func @body(%arg0: i32, %arg1: i32, %arg2: memref<204800xi32, #tpu.memory_space<hbm>>, %arg3: memref<1024xi32, #tpu.memory_space<hbm>>, %arg4: memref<100000x128xf32, #tpu.memory_space<hbm>>, %arg5: memref<8x128xf32, #tpu.memory_space<hbm>>, %arg6: memref<204800x128xf32, #tpu.memory_space<hbm>>, %arg7: memref<6400xi32, #tpu.memory_space<vmem>>, %arg8: memref<32xi32, #tpu.memory_space<vmem>>, %arg9: memref<32x128xf32, #tpu.memory_space<vmem>>, %arg10: memref<200x128xf32, #tpu.memory_space<vmem>>, %arg11: memref<200x128xf32, #tpu.memory_space<vmem>>, %arg12: memref<200x128xf32, #tpu.memory_space<vmem>>, %arg13: memref<200x128xf32, #tpu.memory_space<vmem>>, %arg14: memref<!tpu.dma_semaphore, #tpu.memory_space<semaphore_mem>>, %arg15: memref<!tpu.dma_semaphore, #tpu.memory_space<semaphore_mem>>, %arg16: memref<!tpu.dma_semaphore, #tpu.memory_space<semaphore_mem>>, %arg17: memref<!tpu.dma_semaphore, #tpu.memory_space<semaphore_mem>>, %arg18: memref<!tpu.dma_semaphore, #tpu.memory_space<semaphore_mem>>, %arg19: memref<!tpu.dma_semaphore, #tpu.memory_space<semaphore_mem>>, %arg20: memref<!tpu.dma_semaphore, #tpu.memory_space<semaphore_mem>>, %arg21: memref<!tpu.dma_semaphore, #tpu.memory_space<semaphore_mem>>, %arg22: memref<!tpu.dma_semaphore, #tpu.memory_space<semaphore_mem>>) attributes {dimension_semantics = [#tpu.dimension_semantics<core_parallel>, #tpu.dimension_semantics<subcore_parallel>], iteration_bounds = array<i64: 2, 16>, scalar_prefetch = 0 : i64, scratch_operands = 16 : i64, tpu.core_type = #tpu.core_type<sc_vector_subcore>, window_params = [{transform_indices = #map}, {transform_indices = #map}, {transform_indices = #map1}, {transform_indices = #map1}, {transform_indices = #map1}]} {
    %mul3A = arith.constant 2 : i32
    %mul3A_0 = arith.muli %arg1, %mul3A : i32
    %add3A = arith.addi %mul3A_0, %arg0 : i32
    %mul3A_1 = arith.constant 6400 : i32
    %mul3A_2 = arith.muli %add3A, %mul3A_1 : i32
    %mul3A_3 = arith.constant 32 : i32
    %mul3A_4 = arith.muli %add3A, %mul3A_3 : i32
    "tpu.region"() ({
      %run_scoped3A = tpu.sem_alloc : memref<!tpu.dma_semaphore, #tpu.memory_space<semaphore_mem>>
      %dma_start3A_102 = tpu.memref_slice %arg2[%mul3A_2] : memref<204800xi32, #tpu.memory_space<hbm>> -> memref<6400xi32, #tpu.memory_space<hbm>>
      %dma_start3A_103 = tpu.memref_slice %arg2[%mul3A_2] : memref<204800xi32, #tpu.memory_space<hbm>> -> memref<6400xi32, #tpu.memory_space<hbm>>
      tpu.enqueue_dma source(%dma_start3A_103 : memref<6400xi32, #tpu.memory_space<hbm>>) target(%arg7 : memref<6400xi32, #tpu.memory_space<vmem>>) target_semaphore(%run_scoped3A : memref<!tpu.dma_semaphore, #tpu.memory_space<semaphore_mem>>)
      %dma_wait3A_104 = tpu.memref_slice %arg2[%mul3A_2] : memref<204800xi32, #tpu.memory_space<hbm>> -> memref<6400xi32, #tpu.memory_space<hbm>>
      %dma_wait3A_105 = tpu.memref_slice %arg2[%mul3A_2] : memref<204800xi32, #tpu.memory_space<hbm>> -> memref<6400xi32, #tpu.memory_space<hbm>>
      tpu.wait_dma2 semaphore(%run_scoped3A : memref<!tpu.dma_semaphore, #tpu.memory_space<semaphore_mem>>) src(%dma_wait3A_105 : memref<6400xi32, #tpu.memory_space<hbm>>) dst(%arg7 : memref<6400xi32, #tpu.memory_space<vmem>>)
      tpu.yield
    }) : () -> ()
    "tpu.region"() ({
      %run_scoped3A = tpu.sem_alloc : memref<!tpu.dma_semaphore, #tpu.memory_space<semaphore_mem>>
      %dma_start3A_102 = tpu.memref_slice %arg3[%mul3A_4] : memref<1024xi32, #tpu.memory_space<hbm>> -> memref<32xi32, #tpu.memory_space<hbm>>
      %dma_start3A_103 = tpu.memref_slice %arg3[%mul3A_4] : memref<1024xi32, #tpu.memory_space<hbm>> -> memref<32xi32, #tpu.memory_space<hbm>>
      tpu.enqueue_dma source(%dma_start3A_103 : memref<32xi32, #tpu.memory_space<hbm>>) target(%arg8 : memref<32xi32, #tpu.memory_space<vmem>>) target_semaphore(%run_scoped3A : memref<!tpu.dma_semaphore, #tpu.memory_space<semaphore_mem>>)
      %dma_wait3A_104 = tpu.memref_slice %arg3[%mul3A_4] : memref<1024xi32, #tpu.memory_space<hbm>> -> memref<32xi32, #tpu.memory_space<hbm>>
      %dma_wait3A_105 = tpu.memref_slice %arg3[%mul3A_4] : memref<1024xi32, #tpu.memory_space<hbm>> -> memref<32xi32, #tpu.memory_space<hbm>>
      tpu.wait_dma2 semaphore(%run_scoped3A : memref<!tpu.dma_semaphore, #tpu.memory_space<semaphore_mem>>) src(%dma_wait3A_105 : memref<32xi32, #tpu.memory_space<hbm>>) dst(%arg8 : memref<32xi32, #tpu.memory_space<vmem>>)
      tpu.yield
    }) : () -> ()
    %dma_start3A = arith.constant 0 : i32
    %dma_start3A_5 = arith.constant 0 : i32
    %dma_start3A_6 = tpu.memref_slice %arg5[%dma_start3A, %dma_start3A_5] : memref<8x128xf32, #tpu.memory_space<hbm>> -> memref<8x128xf32, #tpu.memory_space<hbm>>
    tpu.enqueue_indirect_dma source(%dma_start3A_6 : memref<8x128xf32, #tpu.memory_space<hbm>>) target(%arg9 : memref<32x128xf32, #tpu.memory_space<vmem>>) offsets(%arg8 : memref<32xi32, #tpu.memory_space<vmem>>) semaphore(%arg22 : memref<!tpu.dma_semaphore, #tpu.memory_space<semaphore_mem>>)
    %dma_wait3A = arith.constant 0 : i32
    %dma_wait3A_7 = arith.constant 0 : i32
    %dma_wait3A_8 = tpu.memref_slice %arg5[%dma_wait3A, %dma_wait3A_7] : memref<8x128xf32, #tpu.memory_space<hbm>> -> memref<8x128xf32, #tpu.memory_space<hbm>>
    tpu.wait_indirect_dma semaphore(%arg22 : memref<!tpu.dma_semaphore, #tpu.memory_space<semaphore_mem>>) src(%dma_wait3A_8 : memref<8x128xf32, #tpu.memory_space<hbm>>) dst(%arg9 : memref<32x128xf32, #tpu.memory_space<vmem>>)
    %dma_start3A_9 = arith.constant 0 : i32
    %dma_start3A_10 = arith.constant 0 : i32
    %dma_start3A_11 = tpu.memref_slice %arg10[%dma_start3A_9, %dma_start3A_10] : memref<200x128xf32, #tpu.memory_space<vmem>> -> memref<128x128xf32, #tpu.memory_space<vmem>>
    %dma_start3A_12 = arith.constant 0 : i32
    %dma_start3A_13 = tpu.memref_slice %arg7[%dma_start3A_12] : memref<6400xi32, #tpu.memory_space<vmem>> -> memref<128xi32, #tpu.memory_space<vmem>>
    %dma_start3A_14 = arith.constant 0 : i32
    %dma_start3A_15 = arith.constant 0 : i32
    %dma_start3A_16 = tpu.memref_slice %arg4[%dma_start3A_14, %dma_start3A_15] : memref<100000x128xf32, #tpu.memory_space<hbm>> -> memref<100000x128xf32, #tpu.memory_space<hbm>>
    tpu.enqueue_indirect_dma source(%dma_start3A_16 : memref<100000x128xf32, #tpu.memory_space<hbm>>) target(%dma_start3A_11 : memref<128x128xf32, #tpu.memory_space<vmem>>) offsets(%dma_start3A_13 : memref<128xi32, #tpu.memory_space<vmem>>) semaphore(%arg14 : memref<!tpu.dma_semaphore, #tpu.memory_space<semaphore_mem>>)
    %dma_start3A_17 = arith.constant 128 : i32
    %dma_start3A_18 = arith.constant 0 : i32
    %dma_start3A_19 = tpu.memref_slice %arg10[%dma_start3A_17, %dma_start3A_18] : memref<200x128xf32, #tpu.memory_space<vmem>> -> memref<72x128xf32, #tpu.memory_space<vmem>>
    %dma_start3A_20 = arith.constant 128 : i32
    %dma_start3A_21 = tpu.memref_slice %arg7[%dma_start3A_20] : memref<6400xi32, #tpu.memory_space<vmem>> -> memref<72xi32, #tpu.memory_space<vmem>>
    %dma_start3A_22 = arith.constant 0 : i32
    %dma_start3A_23 = arith.constant 0 : i32
    %dma_start3A_24 = tpu.memref_slice %arg4[%dma_start3A_22, %dma_start3A_23] : memref<100000x128xf32, #tpu.memory_space<hbm>> -> memref<100000x128xf32, #tpu.memory_space<hbm>>
    tpu.enqueue_indirect_dma source(%dma_start3A_24 : memref<100000x128xf32, #tpu.memory_space<hbm>>) target(%dma_start3A_19 : memref<72x128xf32, #tpu.memory_space<vmem>>) offsets(%dma_start3A_21 : memref<72xi32, #tpu.memory_space<vmem>>) semaphore(%arg14 : memref<!tpu.dma_semaphore, #tpu.memory_space<semaphore_mem>>)
    %dma_start3A_25 = arith.constant 0 : i32
    %dma_start3A_26 = arith.constant 0 : i32
    %dma_start3A_27 = tpu.memref_slice %arg11[%dma_start3A_25, %dma_start3A_26] : memref<200x128xf32, #tpu.memory_space<vmem>> -> memref<128x128xf32, #tpu.memory_space<vmem>>
    %dma_start3A_28 = arith.constant 200 : i32
    %dma_start3A_29 = tpu.memref_slice %arg7[%dma_start3A_28] : memref<6400xi32, #tpu.memory_space<vmem>> -> memref<128xi32, #tpu.memory_space<vmem>>
    %dma_start3A_30 = arith.constant 0 : i32
    %dma_start3A_31 = arith.constant 0 : i32
    %dma_start3A_32 = tpu.memref_slice %arg4[%dma_start3A_30, %dma_start3A_31] : memref<100000x128xf32, #tpu.memory_space<hbm>> -> memref<100000x128xf32, #tpu.memory_space<hbm>>
    tpu.enqueue_indirect_dma source(%dma_start3A_32 : memref<100000x128xf32, #tpu.memory_space<hbm>>) target(%dma_start3A_27 : memref<128x128xf32, #tpu.memory_space<vmem>>) offsets(%dma_start3A_29 : memref<128xi32, #tpu.memory_space<vmem>>) semaphore(%arg15 : memref<!tpu.dma_semaphore, #tpu.memory_space<semaphore_mem>>)
    %dma_start3A_33 = arith.constant 128 : i32
    %dma_start3A_34 = arith.constant 0 : i32
    %dma_start3A_35 = tpu.memref_slice %arg11[%dma_start3A_33, %dma_start3A_34] : memref<200x128xf32, #tpu.memory_space<vmem>> -> memref<72x128xf32, #tpu.memory_space<vmem>>
    %dma_start3A_36 = arith.constant 328 : i32
    %dma_start3A_37 = tpu.memref_slice %arg7[%dma_start3A_36] : memref<6400xi32, #tpu.memory_space<vmem>> -> memref<72xi32, #tpu.memory_space<vmem>>
    %dma_start3A_38 = arith.constant 0 : i32
    %dma_start3A_39 = arith.constant 0 : i32
    %dma_start3A_40 = tpu.memref_slice %arg4[%dma_start3A_38, %dma_start3A_39] : memref<100000x128xf32, #tpu.memory_space<hbm>> -> memref<100000x128xf32, #tpu.memory_space<hbm>>
    tpu.enqueue_indirect_dma source(%dma_start3A_40 : memref<100000x128xf32, #tpu.memory_space<hbm>>) target(%dma_start3A_35 : memref<72x128xf32, #tpu.memory_space<vmem>>) offsets(%dma_start3A_37 : memref<72xi32, #tpu.memory_space<vmem>>) semaphore(%arg15 : memref<!tpu.dma_semaphore, #tpu.memory_space<semaphore_mem>>)
    %dma_start3A_41 = arith.constant 0 : i32
    %dma_start3A_42 = arith.constant 0 : i32
    %dma_start3A_43 = tpu.memref_slice %arg12[%dma_start3A_41, %dma_start3A_42] : memref<200x128xf32, #tpu.memory_space<vmem>> -> memref<128x128xf32, #tpu.memory_space<vmem>>
    %dma_start3A_44 = arith.constant 400 : i32
    %dma_start3A_45 = tpu.memref_slice %arg7[%dma_start3A_44] : memref<6400xi32, #tpu.memory_space<vmem>> -> memref<128xi32, #tpu.memory_space<vmem>>
    %dma_start3A_46 = arith.constant 0 : i32
    %dma_start3A_47 = arith.constant 0 : i32
    %dma_start3A_48 = tpu.memref_slice %arg4[%dma_start3A_46, %dma_start3A_47] : memref<100000x128xf32, #tpu.memory_space<hbm>> -> memref<100000x128xf32, #tpu.memory_space<hbm>>
    tpu.enqueue_indirect_dma source(%dma_start3A_48 : memref<100000x128xf32, #tpu.memory_space<hbm>>) target(%dma_start3A_43 : memref<128x128xf32, #tpu.memory_space<vmem>>) offsets(%dma_start3A_45 : memref<128xi32, #tpu.memory_space<vmem>>) semaphore(%arg16 : memref<!tpu.dma_semaphore, #tpu.memory_space<semaphore_mem>>)
    %dma_start3A_49 = arith.constant 128 : i32
    %dma_start3A_50 = arith.constant 0 : i32
    %dma_start3A_51 = tpu.memref_slice %arg12[%dma_start3A_49, %dma_start3A_50] : memref<200x128xf32, #tpu.memory_space<vmem>> -> memref<72x128xf32, #tpu.memory_space<vmem>>
    %dma_start3A_52 = arith.constant 528 : i32
    %dma_start3A_53 = tpu.memref_slice %arg7[%dma_start3A_52] : memref<6400xi32, #tpu.memory_space<vmem>> -> memref<72xi32, #tpu.memory_space<vmem>>
    %dma_start3A_54 = arith.constant 0 : i32
    %dma_start3A_55 = arith.constant 0 : i32
    %dma_start3A_56 = tpu.memref_slice %arg4[%dma_start3A_54, %dma_start3A_55] : memref<100000x128xf32, #tpu.memory_space<hbm>> -> memref<100000x128xf32, #tpu.memory_space<hbm>>
    tpu.enqueue_indirect_dma source(%dma_start3A_56 : memref<100000x128xf32, #tpu.memory_space<hbm>>) target(%dma_start3A_51 : memref<72x128xf32, #tpu.memory_space<vmem>>) offsets(%dma_start3A_53 : memref<72xi32, #tpu.memory_space<vmem>>) semaphore(%arg16 : memref<!tpu.dma_semaphore, #tpu.memory_space<semaphore_mem>>)
    %dma_start3A_57 = arith.constant 0 : i32
    %dma_start3A_58 = arith.constant 0 : i32
    %dma_start3A_59 = tpu.memref_slice %arg13[%dma_start3A_57, %dma_start3A_58] : memref<200x128xf32, #tpu.memory_space<vmem>> -> memref<128x128xf32, #tpu.memory_space<vmem>>
    %dma_start3A_60 = arith.constant 600 : i32
    %dma_start3A_61 = tpu.memref_slice %arg7[%dma_start3A_60] : memref<6400xi32, #tpu.memory_space<vmem>> -> memref<128xi32, #tpu.memory_space<vmem>>
    %dma_start3A_62 = arith.constant 0 : i32
    %dma_start3A_63 = arith.constant 0 : i32
    %dma_start3A_64 = tpu.memref_slice %arg4[%dma_start3A_62, %dma_start3A_63] : memref<100000x128xf32, #tpu.memory_space<hbm>> -> memref<100000x128xf32, #tpu.memory_space<hbm>>
    tpu.enqueue_indirect_dma source(%dma_start3A_64 : memref<100000x128xf32, #tpu.memory_space<hbm>>) target(%dma_start3A_59 : memref<128x128xf32, #tpu.memory_space<vmem>>) offsets(%dma_start3A_61 : memref<128xi32, #tpu.memory_space<vmem>>) semaphore(%arg17 : memref<!tpu.dma_semaphore, #tpu.memory_space<semaphore_mem>>)
    %dma_start3A_65 = arith.constant 128 : i32
    %dma_start3A_66 = arith.constant 0 : i32
    %dma_start3A_67 = tpu.memref_slice %arg13[%dma_start3A_65, %dma_start3A_66] : memref<200x128xf32, #tpu.memory_space<vmem>> -> memref<72x128xf32, #tpu.memory_space<vmem>>
    %dma_start3A_68 = arith.constant 728 : i32
    %dma_start3A_69 = tpu.memref_slice %arg7[%dma_start3A_68] : memref<6400xi32, #tpu.memory_space<vmem>> -> memref<72xi32, #tpu.memory_space<vmem>>
    %dma_start3A_70 = arith.constant 0 : i32
    %dma_start3A_71 = arith.constant 0 : i32
    %dma_start3A_72 = tpu.memref_slice %arg4[%dma_start3A_70, %dma_start3A_71] : memref<100000x128xf32, #tpu.memory_space<hbm>> -> memref<100000x128xf32, #tpu.memory_space<hbm>>
    tpu.enqueue_indirect_dma source(%dma_start3A_72 : memref<100000x128xf32, #tpu.memory_space<hbm>>) target(%dma_start3A_67 : memref<72x128xf32, #tpu.memory_space<vmem>>) offsets(%dma_start3A_69 : memref<72xi32, #tpu.memory_space<vmem>>) semaphore(%arg17 : memref<!tpu.dma_semaphore, #tpu.memory_space<semaphore_mem>>)
    %scan3A = arith.constant 0 : i32
    %scan3A_73 = arith.constant 0 : i32
    %scan3A_74 = arith.constant 8 : i32
    %scan3A_75 = arith.addi %scan3A_73, %scan3A_74 : i32
    %scan3A_76 = arith.constant 1 : i32
    scf.for %scan3A_102 = %scan3A_73 to %scan3A_75 step %scan3A_76  : i32 {
      %mul3A_103 = arith.constant 4 : i32
      %mul3A_104 = arith.muli %scan3A_102, %mul3A_103 : i32
      %add3A_105 = arith.constant 0 : i32
      %add3A_106 = arith.addi %mul3A_104, %add3A_105 : i32
      %dma_wait3A_107 = arith.constant 0 : i32
      %dma_wait3A_108 = arith.constant 0 : i32
      %dma_wait3A_109 = tpu.memref_slice %arg10[%dma_wait3A_107, %dma_wait3A_108] : memref<200x128xf32, #tpu.memory_space<vmem>> -> memref<128x128xf32, #tpu.memory_space<vmem>>
      %dma_wait3A_110 = arith.constant 0 : i32
      %dma_wait3A_111 = tpu.memref_slice %arg7[%dma_wait3A_110] : memref<6400xi32, #tpu.memory_space<vmem>> -> memref<128xi32, #tpu.memory_space<vmem>>
      %dma_wait3A_112 = arith.constant 0 : i32
      %dma_wait3A_113 = arith.constant 0 : i32
      %dma_wait3A_114 = tpu.memref_slice %arg4[%dma_wait3A_112, %dma_wait3A_113] : memref<100000x128xf32, #tpu.memory_space<hbm>> -> memref<100000x128xf32, #tpu.memory_space<hbm>>
      tpu.wait_indirect_dma semaphore(%arg14 : memref<!tpu.dma_semaphore, #tpu.memory_space<semaphore_mem>>) src(%dma_wait3A_114 : memref<100000x128xf32, #tpu.memory_space<hbm>>) dst(%dma_wait3A_109 : memref<128x128xf32, #tpu.memory_space<vmem>>)
      %dma_wait3A_115 = arith.constant 128 : i32
      %dma_wait3A_116 = arith.constant 0 : i32
      %dma_wait3A_117 = tpu.memref_slice %arg10[%dma_wait3A_115, %dma_wait3A_116] : memref<200x128xf32, #tpu.memory_space<vmem>> -> memref<72x128xf32, #tpu.memory_space<vmem>>
      %dma_wait3A_118 = arith.constant 0 : i32
      %dma_wait3A_119 = tpu.memref_slice %arg7[%dma_wait3A_118] : memref<6400xi32, #tpu.memory_space<vmem>> -> memref<72xi32, #tpu.memory_space<vmem>>
      %dma_wait3A_120 = arith.constant 0 : i32
      %dma_wait3A_121 = arith.constant 0 : i32
      %dma_wait3A_122 = tpu.memref_slice %arg4[%dma_wait3A_120, %dma_wait3A_121] : memref<100000x128xf32, #tpu.memory_space<hbm>> -> memref<100000x128xf32, #tpu.memory_space<hbm>>
      tpu.wait_indirect_dma semaphore(%arg14 : memref<!tpu.dma_semaphore, #tpu.memory_space<semaphore_mem>>) src(%dma_wait3A_122 : memref<100000x128xf32, #tpu.memory_space<hbm>>) dst(%dma_wait3A_117 : memref<72x128xf32, #tpu.memory_space<vmem>>)
      %get3A = arith.index_cast %add3A_106 : i32 to index
      %get3A_123 = arith.constant 0 : index
      %get3A_124 = tpu.vector_load %arg9[%get3A, %get3A_123] {strides = array<i32>} : memref<32x128xf32, #tpu.memory_space<vmem>>, vector<1x16xf32>,
      %get3A_125 = vector.shape_cast %get3A_124 : vector<1x16xf32> to vector<16xf32>
      %get3A_126 = arith.index_cast %add3A_106 : i32 to index
      %get3A_127 = arith.constant 16 : index
      %get3A_128 = tpu.vector_load %arg9[%get3A_126, %get3A_127] {strides = array<i32>} : memref<32x128xf32, #tpu.memory_space<vmem>>, vector<1x16xf32>,
      %get3A_129 = vector.shape_cast %get3A_128 : vector<1x16xf32> to vector<16xf32>
      %get3A_130 = arith.index_cast %add3A_106 : i32 to index
      %get3A_131 = arith.constant 32 : index
      %get3A_132 = tpu.vector_load %arg9[%get3A_130, %get3A_131] {strides = array<i32>} : memref<32x128xf32, #tpu.memory_space<vmem>>, vector<1x16xf32>,
      %get3A_133 = vector.shape_cast %get3A_132 : vector<1x16xf32> to vector<16xf32>
      %get3A_134 = arith.index_cast %add3A_106 : i32 to index
      %get3A_135 = arith.constant 48 : index
      %get3A_136 = tpu.vector_load %arg9[%get3A_134, %get3A_135] {strides = array<i32>} : memref<32x128xf32, #tpu.memory_space<vmem>>, vector<1x16xf32>,
      %get3A_137 = vector.shape_cast %get3A_136 : vector<1x16xf32> to vector<16xf32>
      %get3A_138 = arith.index_cast %add3A_106 : i32 to index
      %get3A_139 = arith.constant 64 : index
      %get3A_140 = tpu.vector_load %arg9[%get3A_138, %get3A_139] {strides = array<i32>} : memref<32x128xf32, #tpu.memory_space<vmem>>, vector<1x16xf32>,
      %get3A_141 = vector.shape_cast %get3A_140 : vector<1x16xf32> to vector<16xf32>
      %get3A_142 = arith.index_cast %add3A_106 : i32 to index
      %get3A_143 = arith.constant 80 : index
      %get3A_144 = tpu.vector_load %arg9[%get3A_142, %get3A_143] {strides = array<i32>} : memref<32x128xf32, #tpu.memory_space<vmem>>, vector<1x16xf32>,
      %get3A_145 = vector.shape_cast %get3A_144 : vector<1x16xf32> to vector<16xf32>
      %get3A_146 = arith.index_cast %add3A_106 : i32 to index
      %get3A_147 = arith.constant 96 : index
      %get3A_148 = tpu.vector_load %arg9[%get3A_146, %get3A_147] {strides = array<i32>} : memref<32x128xf32, #tpu.memory_space<vmem>>, vector<1x16xf32>,
      %get3A_149 = vector.shape_cast %get3A_148 : vector<1x16xf32> to vector<16xf32>
      %get3A_150 = arith.index_cast %add3A_106 : i32 to index
      %get3A_151 = arith.constant 112 : index
      %get3A_152 = tpu.vector_load %arg9[%get3A_150, %get3A_151] {strides = array<i32>} : memref<32x128xf32, #tpu.memory_space<vmem>>, vector<1x16xf32>,
      %get3A_153 = vector.shape_cast %get3A_152 : vector<1x16xf32> to vector<16xf32>
      %scan3A_154 = arith.constant 0 : i32
      %scan3A_155 = arith.constant 0 : i32
      %scan3A_156 = arith.constant 200 : i32
      %scan3A_157 = arith.addi %scan3A_155, %scan3A_156 : i32
      %scan3A_158 = arith.constant 1 : i32
      scf.for %scan3A_379 = %scan3A_155 to %scan3A_157 step %scan3A_158  : i32 {
        %get3A_380 = arith.index_cast %scan3A_379 : i32 to index
        %get3A_381 = arith.constant 0 : index
        %get3A_382 = tpu.vector_load %arg10[%get3A_380, %get3A_381] {strides = array<i32>} : memref<200x128xf32, #tpu.memory_space<vmem>>, vector<1x16xf32>,
        %get3A_383 = vector.shape_cast %get3A_382 : vector<1x16xf32> to vector<16xf32>
        %add3A_384 = arith.addf %get3A_383, %get3A_125 : vector<16xf32>
        %swap3A = arith.index_cast %scan3A_379 : i32 to index
        %swap3A_385 = arith.constant 0 : index
        %swap3A_386 = tpu.vector_load %arg10[%swap3A, %swap3A_385] {strides = array<i32>} : memref<200x128xf32, #tpu.memory_space<vmem>>, vector<1x16xf32>,
        %swap3A_387 = vector.shape_cast %swap3A_386 : vector<1x16xf32> to vector<16xf32>
        %swap3A_388 = vector.shape_cast %add3A_384 : vector<16xf32> to vector<1x16xf32>
        tpu.vector_store %arg10[%swap3A, %swap3A_385], %swap3A_388 {strides = array<i32>} : memref<200x128xf32, #tpu.memory_space<vmem>>, vector<1x16xf32>,
        %get3A_389 = arith.index_cast %scan3A_379 : i32 to index
        %get3A_390 = arith.constant 16 : index
        %get3A_391 = tpu.vector_load %arg10[%get3A_389, %get3A_390] {strides = array<i32>} : memref<200x128xf32, #tpu.memory_space<vmem>>, vector<1x16xf32>,
        %get3A_392 = vector.shape_cast %get3A_391 : vector<1x16xf32> to vector<16xf32>
        %add3A_393 = arith.addf %get3A_392, %get3A_129 : vector<16xf32>
        %swap3A_394 = arith.index_cast %scan3A_379 : i32 to index
        %swap3A_395 = arith.constant 16 : index
        %swap3A_396 = tpu.vector_load %arg10[%swap3A_394, %swap3A_395] {strides = array<i32>} : memref<200x128xf32, #tpu.memory_space<vmem>>, vector<1x16xf32>,
        %swap3A_397 = vector.shape_cast %swap3A_396 : vector<1x16xf32> to vector<16xf32>
        %swap3A_398 = vector.shape_cast %add3A_393 : vector<16xf32> to vector<1x16xf32>
        tpu.vector_store %arg10[%swap3A_394, %swap3A_395], %swap3A_398 {strides = array<i32>} : memref<200x128xf32, #tpu.memory_space<vmem>>, vector<1x16xf32>,
        %get3A_399 = arith.index_cast %scan3A_379 : i32 to index
        %get3A_400 = arith.constant 32 : index
        %get3A_401 = tpu.vector_load %arg10[%get3A_399, %get3A_400] {strides = array<i32>} : memref<200x128xf32, #tpu.memory_space<vmem>>, vector<1x16xf32>,
        %get3A_402 = vector.shape_cast %get3A_401 : vector<1x16xf32> to vector<16xf32>
        %add3A_403 = arith.addf %get3A_402, %get3A_133 : vector<16xf32>
        %swap3A_404 = arith.index_cast %scan3A_379 : i32 to index
        %swap3A_405 = arith.constant 32 : index
        %swap3A_406 = tpu.vector_load %arg10[%swap3A_404, %swap3A_405] {strides = array<i32>} : memref<200x128xf32, #tpu.memory_space<vmem>>, vector<1x16xf32>,
        %swap3A_407 = vector.shape_cast %swap3A_406 : vector<1x16xf32> to vector<16xf32>
        %swap3A_408 = vector.shape_cast %add3A_403 : vector<16xf32> to vector<1x16xf32>
        tpu.vector_store %arg10[%swap3A_404, %swap3A_405], %swap3A_408 {strides = array<i32>} : memref<200x128xf32, #tpu.memory_space<vmem>>, vector<1x16xf32>,
        %get3A_409 = arith.index_cast %scan3A_379 : i32 to index
        %get3A_410 = arith.constant 48 : index
        %get3A_411 = tpu.vector_load %arg10[%get3A_409, %get3A_410] {strides = array<i32>} : memref<200x128xf32, #tpu.memory_space<vmem>>, vector<1x16xf32>,
        %get3A_412 = vector.shape_cast %get3A_411 : vector<1x16xf32> to vector<16xf32>
        %add3A_413 = arith.addf %get3A_412, %get3A_137 : vector<16xf32>
        %swap3A_414 = arith.index_cast %scan3A_379 : i32 to index
        %swap3A_415 = arith.constant 48 : index
        %swap3A_416 = tpu.vector_load %arg10[%swap3A_414, %swap3A_415] {strides = array<i32>} : memref<200x128xf32, #tpu.memory_space<vmem>>, vector<1x16xf32>,
        %swap3A_417 = vector.shape_cast %swap3A_416 : vector<1x16xf32> to vector<16xf32>
        %swap3A_418 = vector.shape_cast %add3A_413 : vector<16xf32> to vector<1x16xf32>
        tpu.vector_store %arg10[%swap3A_414, %swap3A_415], %swap3A_418 {strides = array<i32>} : memref<200x128xf32, #tpu.memory_space<vmem>>, vector<1x16xf32>,
        %get3A_419 = arith.index_cast %scan3A_379 : i32 to index
        %get3A_420 = arith.constant 64 : index
        %get3A_421 = tpu.vector_load %arg10[%get3A_419, %get3A_420] {strides = array<i32>} : memref<200x128xf32, #tpu.memory_space<vmem>>, vector<1x16xf32>,
        %get3A_422 = vector.shape_cast %get3A_421 : vector<1x16xf32> to vector<16xf32>
        %add3A_423 = arith.addf %get3A_422, %get3A_141 : vector<16xf32>
        %swap3A_424 = arith.index_cast %scan3A_379 : i32 to index
        %swap3A_425 = arith.constant 64 : index
        %swap3A_426 = tpu.vector_load %arg10[%swap3A_424, %swap3A_425] {strides = array<i32>} : memref<200x128xf32, #tpu.memory_space<vmem>>, vector<1x16xf32>,
        %swap3A_427 = vector.shape_cast %swap3A_426 : vector<1x16xf32> to vector<16xf32>
        %swap3A_428 = vector.shape_cast %add3A_423 : vector<16xf32> to vector<1x16xf32>
        tpu.vector_store %arg10[%swap3A_424, %swap3A_425], %swap3A_428 {strides = array<i32>} : memref<200x128xf32, #tpu.memory_space<vmem>>, vector<1x16xf32>,
        %get3A_429 = arith.index_cast %scan3A_379 : i32 to index
        %get3A_430 = arith.constant 80 : index
        %get3A_431 = tpu.vector_load %arg10[%get3A_429, %get3A_430] {strides = array<i32>} : memref<200x128xf32, #tpu.memory_space<vmem>>, vector<1x16xf32>,
        %get3A_432 = vector.shape_cast %get3A_431 : vector<1x16xf32> to vector<16xf32>
        %add3A_433 = arith.addf %get3A_432, %get3A_145 : vector<16xf32>
        %swap3A_434 = arith.index_cast %scan3A_379 : i32 to index
        %swap3A_435 = arith.constant 80 : index
        %swap3A_436 = tpu.vector_load %arg10[%swap3A_434, %swap3A_435] {strides = array<i32>} : memref<200x128xf32, #tpu.memory_space<vmem>>, vector<1x16xf32>,
        %swap3A_437 = vector.shape_cast %swap3A_436 : vector<1x16xf32> to vector<16xf32>
        %swap3A_438 = vector.shape_cast %add3A_433 : vector<16xf32> to vector<1x16xf32>
        tpu.vector_store %arg10[%swap3A_434, %swap3A_435], %swap3A_438 {strides = array<i32>} : memref<200x128xf32, #tpu.memory_space<vmem>>, vector<1x16xf32>,
        %get3A_439 = arith.index_cast %scan3A_379 : i32 to index
        %get3A_440 = arith.constant 96 : index
        %get3A_441 = tpu.vector_load %arg10[%get3A_439, %get3A_440] {strides = array<i32>} : memref<200x128xf32, #tpu.memory_space<vmem>>, vector<1x16xf32>,
        %get3A_442 = vector.shape_cast %get3A_441 : vector<1x16xf32> to vector<16xf32>
        %add3A_443 = arith.addf %get3A_442, %get3A_149 : vector<16xf32>
        %swap3A_444 = arith.index_cast %scan3A_379 : i32 to index
        %swap3A_445 = arith.constant 96 : index
        %swap3A_446 = tpu.vector_load %arg10[%swap3A_444, %swap3A_445] {strides = array<i32>} : memref<200x128xf32, #tpu.memory_space<vmem>>, vector<1x16xf32>,
        %swap3A_447 = vector.shape_cast %swap3A_446 : vector<1x16xf32> to vector<16xf32>
        %swap3A_448 = vector.shape_cast %add3A_443 : vector<16xf32> to vector<1x16xf32>
        tpu.vector_store %arg10[%swap3A_444, %swap3A_445], %swap3A_448 {strides = array<i32>} : memref<200x128xf32, #tpu.memory_space<vmem>>, vector<1x16xf32>,
        %get3A_449 = arith.index_cast %scan3A_379 : i32 to index
        %get3A_450 = arith.constant 112 : index
        %get3A_451 = tpu.vector_load %arg10[%get3A_449, %get3A_450] {strides = array<i32>} : memref<200x128xf32, #tpu.memory_space<vmem>>, vector<1x16xf32>,
        %get3A_452 = vector.shape_cast %get3A_451 : vector<1x16xf32> to vector<16xf32>
        %add3A_453 = arith.addf %get3A_452, %get3A_153 : vector<16xf32>
        %swap3A_454 = arith.index_cast %scan3A_379 : i32 to index
        %swap3A_455 = arith.constant 112 : index
        %swap3A_456 = tpu.vector_load %arg10[%swap3A_454, %swap3A_455] {strides = array<i32>} : memref<200x128xf32, #tpu.memory_space<vmem>>, vector<1x16xf32>,
        %swap3A_457 = vector.shape_cast %swap3A_456 : vector<1x16xf32> to vector<16xf32>
        %swap3A_458 = vector.shape_cast %add3A_453 : vector<16xf32> to vector<1x16xf32>
        tpu.vector_store %arg10[%swap3A_454, %swap3A_455], %swap3A_458 {strides = array<i32>} : memref<200x128xf32, #tpu.memory_space<vmem>>, vector<1x16xf32>,
      }
      %scan3A_159 = arith.constant 200 : i32
      %add3A_160 = arith.addi %mul3A_4, %add3A_106 : i32
      %mul3A_161 = arith.constant 200 : i32
      %mul3A_162 = arith.muli %add3A_160, %mul3A_161 : i32
      %dma_start3A_163 = arith.constant 0 : i32
      %dma_start3A_164 = tpu.memref_slice %arg6[%mul3A_162, %dma_start3A_163] : memref<204800x128xf32, #tpu.memory_space<hbm>> -> memref<200x128xf32, #tpu.memory_space<hbm>>
      %dma_start3A_165 = arith.constant 0 : i32
      %dma_start3A_166 = tpu.memref_slice %arg6[%mul3A_162, %dma_start3A_165] : memref<204800x128xf32, #tpu.memory_space<hbm>> -> memref<200x128xf32, #tpu.memory_space<hbm>>
      tpu.enqueue_dma source(%arg10 : memref<200x128xf32, #tpu.memory_space<vmem>>) target(%dma_start3A_166 : memref<200x128xf32, #tpu.memory_space<hbm>>) target_semaphore(%arg18 : memref<!tpu.dma_semaphore, #tpu.memory_space<semaphore_mem>>)
      %lt3A = arith.constant 7 : i32
      %lt3A_167 = arith.cmpi slt, %scan3A_102, %lt3A : i32
      %convert_element_type3A = arith.extui %lt3A_167 : i1 to i32
      %cond3A = arith.constant 0 : i32
      %cond3A_168 = arith.cmpi ne, %convert_element_type3A, %cond3A : i32
      scf.if %cond3A_168 {
        %dma_wait3A_379 = arith.constant 0 : i32
        %dma_wait3A_380 = arith.constant 0 : i32
        %dma_wait3A_381 = tpu.memref_slice %arg6[%dma_wait3A_379, %dma_wait3A_380] : memref<204800x128xf32, #tpu.memory_space<hbm>> -> memref<200x128xf32, #tpu.memory_space<hbm>>
        %dma_wait3A_382 = arith.constant 0 : i32
        %dma_wait3A_383 = arith.constant 0 : i32
        %dma_wait3A_384 = tpu.memref_slice %arg6[%dma_wait3A_382, %dma_wait3A_383] : memref<204800x128xf32, #tpu.memory_space<hbm>> -> memref<200x128xf32, #tpu.memory_space<hbm>>
        tpu.wait_dma2 semaphore(%arg18 : memref<!tpu.dma_semaphore, #tpu.memory_space<semaphore_mem>>) src(%arg10 : memref<200x128xf32, #tpu.memory_space<vmem>>) dst(%dma_wait3A_384 : memref<200x128xf32, #tpu.memory_space<hbm>>)
        %add3A_385 = arith.constant 4 : i32
        %add3A_386 = arith.addi %add3A_106, %add3A_385 : i32
        %mul3A_387 = arith.constant 200 : i32
        %mul3A_388 = arith.muli %add3A_386, %mul3A_387 : i32
        %dma_start3A_389 = arith.constant 0 : i32
        %dma_start3A_390 = arith.constant 0 : i32
        %dma_start3A_391 = tpu.memref_slice %arg10[%dma_start3A_389, %dma_start3A_390] : memref<200x128xf32, #tpu.memory_space<vmem>> -> memref<128x128xf32, #tpu.memory_space<vmem>>
        %dma_start3A_392 = tpu.memref_slice %arg7[%mul3A_388] : memref<6400xi32, #tpu.memory_space<vmem>> -> memref<128xi32, #tpu.memory_space<vmem>>
        %dma_start3A_393 = arith.constant 0 : i32
        %dma_start3A_394 = arith.constant 0 : i32
        %dma_start3A_395 = tpu.memref_slice %arg4[%dma_start3A_393, %dma_start3A_394] : memref<100000x128xf32, #tpu.memory_space<hbm>> -> memref<100000x128xf32, #tpu.memory_space<hbm>>
        tpu.enqueue_indirect_dma source(%dma_start3A_395 : memref<100000x128xf32, #tpu.memory_space<hbm>>) target(%dma_start3A_391 : memref<128x128xf32, #tpu.memory_space<vmem>>) offsets(%dma_start3A_392 : memref<128xi32, #tpu.memory_space<vmem>>) semaphore(%arg14 : memref<!tpu.dma_semaphore, #tpu.memory_space<semaphore_mem>>)
        %add3A_396 = arith.constant 128 : i32
        %add3A_397 = arith.addi %mul3A_388, %add3A_396 : i32
        %dma_start3A_398 = arith.constant 128 : i32
        %dma_start3A_399 = arith.constant 0 : i32
        %dma_start3A_400 = tpu.memref_slice %arg10[%dma_start3A_398, %dma_start3A_399] : memref<200x128xf32, #tpu.memory_space<vmem>> -> memref<72x128xf32, #tpu.memory_space<vmem>>
        %dma_start3A_401 = tpu.memref_slice %arg7[%add3A_397] : memref<6400xi32, #tpu.memory_space<vmem>> -> memref<72xi32, #tpu.memory_space<vmem>>
        %dma_start3A_402 = arith.constant 0 : i32
        %dma_start3A_403 = arith.constant 0 : i32
        %dma_start3A_404 = tpu.memref_slice %arg4[%dma_start3A_402, %dma_start3A_403] : memref<100000x128xf32, #tpu.memory_space<hbm>> -> memref<100000x128xf32, #tpu.memory_space<hbm>>
        tpu.enqueue_indirect_dma source(%dma_start3A_404 : memref<100000x128xf32, #tpu.memory_space<hbm>>) target(%dma_start3A_400 : memref<72x128xf32, #tpu.memory_space<vmem>>) offsets(%dma_start3A_401 : memref<72xi32, #tpu.memory_space<vmem>>) semaphore(%arg14 : memref<!tpu.dma_semaphore, #tpu.memory_space<semaphore_mem>>)
      } else {
      }
      %mul3A_169 = arith.constant 4 : i32
      %mul3A_170 = arith.muli %scan3A_102, %mul3A_169 : i32
      %add3A_171 = arith.constant 1 : i32
      %add3A_172 = arith.addi %mul3A_170, %add3A_171 : i32
      %dma_wait3A_173 = arith.constant 0 : i32
      %dma_wait3A_174 = arith.constant 0 : i32
      %dma_wait3A_175 = tpu.memref_slice %arg11[%dma_wait3A_173, %dma_wait3A_174] : memref<200x128xf32, #tpu.memory_space<vmem>> -> memref<128x128xf32, #tpu.memory_space<vmem>>
      %dma_wait3A_176 = arith.constant 0 : i32
      %dma_wait3A_177 = tpu.memref_slice %arg7[%dma_wait3A_176] : memref<6400xi32, #tpu.memory_space<vmem>> -> memref<128xi32, #tpu.memory_space<vmem>>
      %dma_wait3A_178 = arith.constant 0 : i32
      %dma_wait3A_179 = arith.constant 0 : i32
      %dma_wait3A_180 = tpu.memref_slice %arg4[%dma_wait3A_178, %dma_wait3A_179] : memref<100000x128xf32, #tpu.memory_space<hbm>> -> memref<100000x128xf32, #tpu.memory_space<hbm>>
      tpu.wait_indirect_dma semaphore(%arg15 : memref<!tpu.dma_semaphore, #tpu.memory_space<semaphore_mem>>) src(%dma_wait3A_180 : memref<100000x128xf32, #tpu.memory_space<hbm>>) dst(%dma_wait3A_175 : memref<128x128xf32, #tpu.memory_space<vmem>>)
      %dma_wait3A_181 = arith.constant 128 : i32
      %dma_wait3A_182 = arith.constant 0 : i32
      %dma_wait3A_183 = tpu.memref_slice %arg11[%dma_wait3A_181, %dma_wait3A_182] : memref<200x128xf32, #tpu.memory_space<vmem>> -> memref<72x128xf32, #tpu.memory_space<vmem>>
      %dma_wait3A_184 = arith.constant 0 : i32
      %dma_wait3A_185 = tpu.memref_slice %arg7[%dma_wait3A_184] : memref<6400xi32, #tpu.memory_space<vmem>> -> memref<72xi32, #tpu.memory_space<vmem>>
      %dma_wait3A_186 = arith.constant 0 : i32
      %dma_wait3A_187 = arith.constant 0 : i32
      %dma_wait3A_188 = tpu.memref_slice %arg4[%dma_wait3A_186, %dma_wait3A_187] : memref<100000x128xf32, #tpu.memory_space<hbm>> -> memref<100000x128xf32, #tpu.memory_space<hbm>>
      tpu.wait_indirect_dma semaphore(%arg15 : memref<!tpu.dma_semaphore, #tpu.memory_space<semaphore_mem>>) src(%dma_wait3A_188 : memref<100000x128xf32, #tpu.memory_space<hbm>>) dst(%dma_wait3A_183 : memref<72x128xf32, #tpu.memory_space<vmem>>)
      %get3A_189 = arith.index_cast %add3A_172 : i32 to index
      %get3A_190 = arith.constant 0 : index
      %get3A_191 = tpu.vector_load %arg9[%get3A_189, %get3A_190] {strides = array<i32>} : memref<32x128xf32, #tpu.memory_space<vmem>>, vector<1x16xf32>,
      %get3A_192 = vector.shape_cast %get3A_191 : vector<1x16xf32> to vector<16xf32>
      %get3A_193 = arith.index_cast %add3A_172 : i32 to index
      %get3A_194 = arith.constant 16 : index
      %get3A_195 = tpu.vector_load %arg9[%get3A_193, %get3A_194] {strides = array<i32>} : memref<32x128xf32, #tpu.memory_space<vmem>>, vector<1x16xf32>,
      %get3A_196 = vector.shape_cast %get3A_195 : vector<1x16xf32> to vector<16xf32>
      %get3A_197 = arith.index_cast %add3A_172 : i32 to index
      %get3A_198 = arith.constant 32 : index
      %get3A_199 = tpu.vector_load %arg9[%get3A_197, %get3A_198] {strides = array<i32>} : memref<32x128xf32, #tpu.memory_space<vmem>>, vector<1x16xf32>,
      %get3A_200 = vector.shape_cast %get3A_199 : vector<1x16xf32> to vector<16xf32>
      %get3A_201 = arith.index_cast %add3A_172 : i32 to index
      %get3A_202 = arith.constant 48 : index
      %get3A_203 = tpu.vector_load %arg9[%get3A_201, %get3A_202] {strides = array<i32>} : memref<32x128xf32, #tpu.memory_space<vmem>>, vector<1x16xf32>,
      %get3A_204 = vector.shape_cast %get3A_203 : vector<1x16xf32> to vector<16xf32>
      %get3A_205 = arith.index_cast %add3A_172 : i32 to index
      %get3A_206 = arith.constant 64 : index
      %get3A_207 = tpu.vector_load %arg9[%get3A_205, %get3A_206] {strides = array<i32>} : memref<32x128xf32, #tpu.memory_space<vmem>>, vector<1x16xf32>,
      %get3A_208 = vector.shape_cast %get3A_207 : vector<1x16xf32> to vector<16xf32>
      %get3A_209 = arith.index_cast %add3A_172 : i32 to index
      %get3A_210 = arith.constant 80 : index
      %get3A_211 = tpu.vector_load %arg9[%get3A_209, %get3A_210] {strides = array<i32>} : memref<32x128xf32, #tpu.memory_space<vmem>>, vector<1x16xf32>,
      %get3A_212 = vector.shape_cast %get3A_211 : vector<1x16xf32> to vector<16xf32>
      %get3A_213 = arith.index_cast %add3A_172 : i32 to index
      %get3A_214 = arith.constant 96 : index
      %get3A_215 = tpu.vector_load %arg9[%get3A_213, %get3A_214] {strides = array<i32>} : memref<32x128xf32, #tpu.memory_space<vmem>>, vector<1x16xf32>,
      %get3A_216 = vector.shape_cast %get3A_215 : vector<1x16xf32> to vector<16xf32>
      %get3A_217 = arith.index_cast %add3A_172 : i32 to index
      %get3A_218 = arith.constant 112 : index
      %get3A_219 = tpu.vector_load %arg9[%get3A_217, %get3A_218] {strides = array<i32>} : memref<32x128xf32, #tpu.memory_space<vmem>>, vector<1x16xf32>,
      %get3A_220 = vector.shape_cast %get3A_219 : vector<1x16xf32> to vector<16xf32>
      %scan3A_221 = arith.constant 0 : i32
      %scan3A_222 = arith.constant 0 : i32
      %scan3A_223 = arith.constant 200 : i32
      %scan3A_224 = arith.addi %scan3A_222, %scan3A_223 : i32
      %scan3A_225 = arith.constant 1 : i32
      scf.for %scan3A_379 = %scan3A_222 to %scan3A_224 step %scan3A_225  : i32 {
        %get3A_380 = arith.index_cast %scan3A_379 : i32 to index
        %get3A_381 = arith.constant 0 : index
        %get3A_382 = tpu.vector_load %arg11[%get3A_380, %get3A_381] {strides = array<i32>} : memref<200x128xf32, #tpu.memory_space<vmem>>, vector<1x16xf32>,
        %get3A_383 = vector.shape_cast %get3A_382 : vector<1x16xf32> to vector<16xf32>
        %add3A_384 = arith.addf %get3A_383, %get3A_192 : vector<16xf32>
        %swap3A = arith.index_cast %scan3A_379 : i32 to index
        %swap3A_385 = arith.constant 0 : index
        %swap3A_386 = tpu.vector_load %arg11[%swap3A, %swap3A_385] {strides = array<i32>} : memref<200x128xf32, #tpu.memory_space<vmem>>, vector<1x16xf32>,
        %swap3A_387 = vector.shape_cast %swap3A_386 : vector<1x16xf32> to vector<16xf32>
        %swap3A_388 = vector.shape_cast %add3A_384 : vector<16xf32> to vector<1x16xf32>
        tpu.vector_store %arg11[%swap3A, %swap3A_385], %swap3A_388 {strides = array<i32>} : memref<200x128xf32, #tpu.memory_space<vmem>>, vector<1x16xf32>,
        %get3A_389 = arith.index_cast %scan3A_379 : i32 to index
        %get3A_390 = arith.constant 16 : index
        %get3A_391 = tpu.vector_load %arg11[%get3A_389, %get3A_390] {strides = array<i32>} : memref<200x128xf32, #tpu.memory_space<vmem>>, vector<1x16xf32>,
        %get3A_392 = vector.shape_cast %get3A_391 : vector<1x16xf32> to vector<16xf32>
        %add3A_393 = arith.addf %get3A_392, %get3A_196 : vector<16xf32>
        %swap3A_394 = arith.index_cast %scan3A_379 : i32 to index
        %swap3A_395 = arith.constant 16 : index
        %swap3A_396 = tpu.vector_load %arg11[%swap3A_394, %swap3A_395] {strides = array<i32>} : memref<200x128xf32, #tpu.memory_space<vmem>>, vector<1x16xf32>,
        %swap3A_397 = vector.shape_cast %swap3A_396 : vector<1x16xf32> to vector<16xf32>
        %swap3A_398 = vector.shape_cast %add3A_393 : vector<16xf32> to vector<1x16xf32>
        tpu.vector_store %arg11[%swap3A_394, %swap3A_395], %swap3A_398 {strides = array<i32>} : memref<200x128xf32, #tpu.memory_space<vmem>>, vector<1x16xf32>,
        %get3A_399 = arith.index_cast %scan3A_379 : i32 to index
        %get3A_400 = arith.constant 32 : index
        %get3A_401 = tpu.vector_load %arg11[%get3A_399, %get3A_400] {strides = array<i32>} : memref<200x128xf32, #tpu.memory_space<vmem>>, vector<1x16xf32>,
        %get3A_402 = vector.shape_cast %get3A_401 : vector<1x16xf32> to vector<16xf32>
        %add3A_403 = arith.addf %get3A_402, %get3A_200 : vector<16xf32>
        %swap3A_404 = arith.index_cast %scan3A_379 : i32 to index
        %swap3A_405 = arith.constant 32 : index
        %swap3A_406 = tpu.vector_load %arg11[%swap3A_404, %swap3A_405] {strides = array<i32>} : memref<200x128xf32, #tpu.memory_space<vmem>>, vector<1x16xf32>,
        %swap3A_407 = vector.shape_cast %swap3A_406 : vector<1x16xf32> to vector<16xf32>
        %swap3A_408 = vector.shape_cast %add3A_403 : vector<16xf32> to vector<1x16xf32>
        tpu.vector_store %arg11[%swap3A_404, %swap3A_405], %swap3A_408 {strides = array<i32>} : memref<200x128xf32, #tpu.memory_space<vmem>>, vector<1x16xf32>,
        %get3A_409 = arith.index_cast %scan3A_379 : i32 to index
        %get3A_410 = arith.constant 48 : index
        %get3A_411 = tpu.vector_load %arg11[%get3A_409, %get3A_410] {strides = array<i32>} : memref<200x128xf32, #tpu.memory_space<vmem>>, vector<1x16xf32>,
        %get3A_412 = vector.shape_cast %get3A_411 : vector<1x16xf32> to vector<16xf32>
        %add3A_413 = arith.addf %get3A_412, %get3A_204 : vector<16xf32>
        %swap3A_414 = arith.index_cast %scan3A_379 : i32 to index
        %swap3A_415 = arith.constant 48 : index
        %swap3A_416 = tpu.vector_load %arg11[%swap3A_414, %swap3A_415] {strides = array<i32>} : memref<200x128xf32, #tpu.memory_space<vmem>>, vector<1x16xf32>,
        %swap3A_417 = vector.shape_cast %swap3A_416 : vector<1x16xf32> to vector<16xf32>
        %swap3A_418 = vector.shape_cast %add3A_413 : vector<16xf32> to vector<1x16xf32>
        tpu.vector_store %arg11[%swap3A_414, %swap3A_415], %swap3A_418 {strides = array<i32>} : memref<200x128xf32, #tpu.memory_space<vmem>>, vector<1x16xf32>,
        %get3A_419 = arith.index_cast %scan3A_379 : i32 to index
        %get3A_420 = arith.constant 64 : index
        %get3A_421 = tpu.vector_load %arg11[%get3A_419, %get3A_420] {strides = array<i32>} : memref<200x128xf32, #tpu.memory_space<vmem>>, vector<1x16xf32>,
        %get3A_422 = vector.shape_cast %get3A_421 : vector<1x16xf32> to vector<16xf32>
        %add3A_423 = arith.addf %get3A_422, %get3A_208 : vector<16xf32>
        %swap3A_424 = arith.index_cast %scan3A_379 : i32 to index
        %swap3A_425 = arith.constant 64 : index
        %swap3A_426 = tpu.vector_load %arg11[%swap3A_424, %swap3A_425] {strides = array<i32>} : memref<200x128xf32, #tpu.memory_space<vmem>>, vector<1x16xf32>,
        %swap3A_427 = vector.shape_cast %swap3A_426 : vector<1x16xf32> to vector<16xf32>
        %swap3A_428 = vector.shape_cast %add3A_423 : vector<16xf32> to vector<1x16xf32>
        tpu.vector_store %arg11[%swap3A_424, %swap3A_425], %swap3A_428 {strides = array<i32>} : memref<200x128xf32, #tpu.memory_space<vmem>>, vector<1x16xf32>,
        %get3A_429 = arith.index_cast %scan3A_379 : i32 to index
        %get3A_430 = arith.constant 80 : index
        %get3A_431 = tpu.vector_load %arg11[%get3A_429, %get3A_430] {strides = array<i32>} : memref<200x128xf32, #tpu.memory_space<vmem>>, vector<1x16xf32>,
        %get3A_432 = vector.shape_cast %get3A_431 : vector<1x16xf32> to vector<16xf32>
        %add3A_433 = arith.addf %get3A_432, %get3A_212 : vector<16xf32>
        %swap3A_434 = arith.index_cast %scan3A_379 : i32 to index
        %swap3A_435 = arith.constant 80 : index
        %swap3A_436 = tpu.vector_load %arg11[%swap3A_434, %swap3A_435] {strides = array<i32>} : memref<200x128xf32, #tpu.memory_space<vmem>>, vector<1x16xf32>,
        %swap3A_437 = vector.shape_cast %swap3A_436 : vector<1x16xf32> to vector<16xf32>
        %swap3A_438 = vector.shape_cast %add3A_433 : vector<16xf32> to vector<1x16xf32>
        tpu.vector_store %arg11[%swap3A_434, %swap3A_435], %swap3A_438 {strides = array<i32>} : memref<200x128xf32, #tpu.memory_space<vmem>>, vector<1x16xf32>,
        %get3A_439 = arith.index_cast %scan3A_379 : i32 to index
        %get3A_440 = arith.constant 96 : index
        %get3A_441 = tpu.vector_load %arg11[%get3A_439, %get3A_440] {strides = array<i32>} : memref<200x128xf32, #tpu.memory_space<vmem>>, vector<1x16xf32>,
        %get3A_442 = vector.shape_cast %get3A_441 : vector<1x16xf32> to vector<16xf32>
        %add3A_443 = arith.addf %get3A_442, %get3A_216 : vector<16xf32>
        %swap3A_444 = arith.index_cast %scan3A_379 : i32 to index
        %swap3A_445 = arith.constant 96 : index
        %swap3A_446 = tpu.vector_load %arg11[%swap3A_444, %swap3A_445] {strides = array<i32>} : memref<200x128xf32, #tpu.memory_space<vmem>>, vector<1x16xf32>,
        %swap3A_447 = vector.shape_cast %swap3A_446 : vector<1x16xf32> to vector<16xf32>
        %swap3A_448 = vector.shape_cast %add3A_443 : vector<16xf32> to vector<1x16xf32>
        tpu.vector_store %arg11[%swap3A_444, %swap3A_445], %swap3A_448 {strides = array<i32>} : memref<200x128xf32, #tpu.memory_space<vmem>>, vector<1x16xf32>,
        %get3A_449 = arith.index_cast %scan3A_379 : i32 to index
        %get3A_450 = arith.constant 112 : index
        %get3A_451 = tpu.vector_load %arg11[%get3A_449, %get3A_450] {strides = array<i32>} : memref<200x128xf32, #tpu.memory_space<vmem>>, vector<1x16xf32>,
        %get3A_452 = vector.shape_cast %get3A_451 : vector<1x16xf32> to vector<16xf32>
        %add3A_453 = arith.addf %get3A_452, %get3A_220 : vector<16xf32>
        %swap3A_454 = arith.index_cast %scan3A_379 : i32 to index
        %swap3A_455 = arith.constant 112 : index
        %swap3A_456 = tpu.vector_load %arg11[%swap3A_454, %swap3A_455] {strides = array<i32>} : memref<200x128xf32, #tpu.memory_space<vmem>>, vector<1x16xf32>,
        %swap3A_457 = vector.shape_cast %swap3A_456 : vector<1x16xf32> to vector<16xf32>
        %swap3A_458 = vector.shape_cast %add3A_453 : vector<16xf32> to vector<1x16xf32>
        tpu.vector_store %arg11[%swap3A_454, %swap3A_455], %swap3A_458 {strides = array<i32>} : memref<200x128xf32, #tpu.memory_space<vmem>>, vector<1x16xf32>,
      }
      %scan3A_226 = arith.constant 200 : i32
      %add3A_227 = arith.addi %mul3A_4, %add3A_172 : i32
      %mul3A_228 = arith.constant 200 : i32
      %mul3A_229 = arith.muli %add3A_227, %mul3A_228 : i32
      %dma_start3A_230 = arith.constant 0 : i32
      %dma_start3A_231 = tpu.memref_slice %arg6[%mul3A_229, %dma_start3A_230] : memref<204800x128xf32, #tpu.memory_space<hbm>> -> memref<200x128xf32, #tpu.memory_space<hbm>>
      %dma_start3A_232 = arith.constant 0 : i32
      %dma_start3A_233 = tpu.memref_slice %arg6[%mul3A_229, %dma_start3A_232] : memref<204800x128xf32, #tpu.memory_space<hbm>> -> memref<200x128xf32, #tpu.memory_space<hbm>>
      tpu.enqueue_dma source(%arg11 : memref<200x128xf32, #tpu.memory_space<vmem>>) target(%dma_start3A_233 : memref<200x128xf32, #tpu.memory_space<hbm>>) target_semaphore(%arg19 : memref<!tpu.dma_semaphore, #tpu.memory_space<semaphore_mem>>)
      %lt3A_234 = arith.constant 7 : i32
      %lt3A_235 = arith.cmpi slt, %scan3A_102, %lt3A_234 : i32
      %convert_element_type3A_236 = arith.extui %lt3A_235 : i1 to i32
      %cond3A_237 = arith.constant 0 : i32
      %cond3A_238 = arith.cmpi ne, %convert_element_type3A_236, %cond3A_237 : i32
      scf.if %cond3A_238 {
        %dma_wait3A_379 = arith.constant 0 : i32
        %dma_wait3A_380 = arith.constant 0 : i32
        %dma_wait3A_381 = tpu.memref_slice %arg6[%dma_wait3A_379, %dma_wait3A_380] : memref<204800x128xf32, #tpu.memory_space<hbm>> -> memref<200x128xf32, #tpu.memory_space<hbm>>
        %dma_wait3A_382 = arith.constant 0 : i32
        %dma_wait3A_383 = arith.constant 0 : i32
        %dma_wait3A_384 = tpu.memref_slice %arg6[%dma_wait3A_382, %dma_wait3A_383] : memref<204800x128xf32, #tpu.memory_space<hbm>> -> memref<200x128xf32, #tpu.memory_space<hbm>>
        tpu.wait_dma2 semaphore(%arg19 : memref<!tpu.dma_semaphore, #tpu.memory_space<semaphore_mem>>) src(%arg11 : memref<200x128xf32, #tpu.memory_space<vmem>>) dst(%dma_wait3A_384 : memref<200x128xf32, #tpu.memory_space<hbm>>)
        %add3A_385 = arith.constant 4 : i32
        %add3A_386 = arith.addi %add3A_172, %add3A_385 : i32
        %mul3A_387 = arith.constant 200 : i32
        %mul3A_388 = arith.muli %add3A_386, %mul3A_387 : i32
        %dma_start3A_389 = arith.constant 0 : i32
        %dma_start3A_390 = arith.constant 0 : i32
        %dma_start3A_391 = tpu.memref_slice %arg11[%dma_start3A_389, %dma_start3A_390] : memref<200x128xf32, #tpu.memory_space<vmem>> -> memref<128x128xf32, #tpu.memory_space<vmem>>
        %dma_start3A_392 = tpu.memref_slice %arg7[%mul3A_388] : memref<6400xi32, #tpu.memory_space<vmem>> -> memref<128xi32, #tpu.memory_space<vmem>>
        %dma_start3A_393 = arith.constant 0 : i32
        %dma_start3A_394 = arith.constant 0 : i32
        %dma_start3A_395 = tpu.memref_slice %arg4[%dma_start3A_393, %dma_start3A_394] : memref<100000x128xf32, #tpu.memory_space<hbm>> -> memref<100000x128xf32, #tpu.memory_space<hbm>>
        tpu.enqueue_indirect_dma source(%dma_start3A_395 : memref<100000x128xf32, #tpu.memory_space<hbm>>) target(%dma_start3A_391 : memref<128x128xf32, #tpu.memory_space<vmem>>) offsets(%dma_start3A_392 : memref<128xi32, #tpu.memory_space<vmem>>) semaphore(%arg15 : memref<!tpu.dma_semaphore, #tpu.memory_space<semaphore_mem>>)
        %add3A_396 = arith.constant 128 : i32
        %add3A_397 = arith.addi %mul3A_388, %add3A_396 : i32
        %dma_start3A_398 = arith.constant 128 : i32
        %dma_start3A_399 = arith.constant 0 : i32
        %dma_start3A_400 = tpu.memref_slice %arg11[%dma_start3A_398, %dma_start3A_399] : memref<200x128xf32, #tpu.memory_space<vmem>> -> memref<72x128xf32, #tpu.memory_space<vmem>>
        %dma_start3A_401 = tpu.memref_slice %arg7[%add3A_397] : memref<6400xi32, #tpu.memory_space<vmem>> -> memref<72xi32, #tpu.memory_space<vmem>>
        %dma_start3A_402 = arith.constant 0 : i32
        %dma_start3A_403 = arith.constant 0 : i32
        %dma_start3A_404 = tpu.memref_slice %arg4[%dma_start3A_402, %dma_start3A_403] : memref<100000x128xf32, #tpu.memory_space<hbm>> -> memref<100000x128xf32, #tpu.memory_space<hbm>>
        tpu.enqueue_indirect_dma source(%dma_start3A_404 : memref<100000x128xf32, #tpu.memory_space<hbm>>) target(%dma_start3A_400 : memref<72x128xf32, #tpu.memory_space<vmem>>) offsets(%dma_start3A_401 : memref<72xi32, #tpu.memory_space<vmem>>) semaphore(%arg15 : memref<!tpu.dma_semaphore, #tpu.memory_space<semaphore_mem>>)
      } else {
      }
      %mul3A_239 = arith.constant 4 : i32
      %mul3A_240 = arith.muli %scan3A_102, %mul3A_239 : i32
      %add3A_241 = arith.constant 2 : i32
      %add3A_242 = arith.addi %mul3A_240, %add3A_241 : i32
      %dma_wait3A_243 = arith.constant 0 : i32
      %dma_wait3A_244 = arith.constant 0 : i32
      %dma_wait3A_245 = tpu.memref_slice %arg12[%dma_wait3A_243, %dma_wait3A_244] : memref<200x128xf32, #tpu.memory_space<vmem>> -> memref<128x128xf32, #tpu.memory_space<vmem>>
      %dma_wait3A_246 = arith.constant 0 : i32
      %dma_wait3A_247 = tpu.memref_slice %arg7[%dma_wait3A_246] : memref<6400xi32, #tpu.memory_space<vmem>> -> memref<128xi32, #tpu.memory_space<vmem>>
      %dma_wait3A_248 = arith.constant 0 : i32
      %dma_wait3A_249 = arith.constant 0 : i32
      %dma_wait3A_250 = tpu.memref_slice %arg4[%dma_wait3A_248, %dma_wait3A_249] : memref<100000x128xf32, #tpu.memory_space<hbm>> -> memref<100000x128xf32, #tpu.memory_space<hbm>>
      tpu.wait_indirect_dma semaphore(%arg16 : memref<!tpu.dma_semaphore, #tpu.memory_space<semaphore_mem>>) src(%dma_wait3A_250 : memref<100000x128xf32, #tpu.memory_space<hbm>>) dst(%dma_wait3A_245 : memref<128x128xf32, #tpu.memory_space<vmem>>)
      %dma_wait3A_251 = arith.constant 128 : i32
      %dma_wait3A_252 = arith.constant 0 : i32
      %dma_wait3A_253 = tpu.memref_slice %arg12[%dma_wait3A_251, %dma_wait3A_252] : memref<200x128xf32, #tpu.memory_space<vmem>> -> memref<72x128xf32, #tpu.memory_space<vmem>>
      %dma_wait3A_254 = arith.constant 0 : i32
      %dma_wait3A_255 = tpu.memref_slice %arg7[%dma_wait3A_254] : memref<6400xi32, #tpu.memory_space<vmem>> -> memref<72xi32, #tpu.memory_space<vmem>>
      %dma_wait3A_256 = arith.constant 0 : i32
      %dma_wait3A_257 = arith.constant 0 : i32
      %dma_wait3A_258 = tpu.memref_slice %arg4[%dma_wait3A_256, %dma_wait3A_257] : memref<100000x128xf32, #tpu.memory_space<hbm>> -> memref<100000x128xf32, #tpu.memory_space<hbm>>
      tpu.wait_indirect_dma semaphore(%arg16 : memref<!tpu.dma_semaphore, #tpu.memory_space<semaphore_mem>>) src(%dma_wait3A_258 : memref<100000x128xf32, #tpu.memory_space<hbm>>) dst(%dma_wait3A_253 : memref<72x128xf32, #tpu.memory_space<vmem>>)
      %get3A_259 = arith.index_cast %add3A_242 : i32 to index
      %get3A_260 = arith.constant 0 : index
      %get3A_261 = tpu.vector_load %arg9[%get3A_259, %get3A_260] {strides = array<i32>} : memref<32x128xf32, #tpu.memory_space<vmem>>, vector<1x16xf32>,
      %get3A_262 = vector.shape_cast %get3A_261 : vector<1x16xf32> to vector<16xf32>
      %get3A_263 = arith.index_cast %add3A_242 : i32 to index
      %get3A_264 = arith.constant 16 : index
      %get3A_265 = tpu.vector_load %arg9[%get3A_263, %get3A_264] {strides = array<i32>} : memref<32x128xf32, #tpu.memory_space<vmem>>, vector<1x16xf32>,
      %get3A_266 = vector.shape_cast %get3A_265 : vector<1x16xf32> to vector<16xf32>
      %get3A_267 = arith.index_cast %add3A_242 : i32 to index
      %get3A_268 = arith.constant 32 : index
      %get3A_269 = tpu.vector_load %arg9[%get3A_267, %get3A_268] {strides = array<i32>} : memref<32x128xf32, #tpu.memory_space<vmem>>, vector<1x16xf32>,
      %get3A_270 = vector.shape_cast %get3A_269 : vector<1x16xf32> to vector<16xf32>
      %get3A_271 = arith.index_cast %add3A_242 : i32 to index
      %get3A_272 = arith.constant 48 : index
      %get3A_273 = tpu.vector_load %arg9[%get3A_271, %get3A_272] {strides = array<i32>} : memref<32x128xf32, #tpu.memory_space<vmem>>, vector<1x16xf32>,
      %get3A_274 = vector.shape_cast %get3A_273 : vector<1x16xf32> to vector<16xf32>
      %get3A_275 = arith.index_cast %add3A_242 : i32 to index
      %get3A_276 = arith.constant 64 : index
      %get3A_277 = tpu.vector_load %arg9[%get3A_275, %get3A_276] {strides = array<i32>} : memref<32x128xf32, #tpu.memory_space<vmem>>, vector<1x16xf32>,
      %get3A_278 = vector.shape_cast %get3A_277 : vector<1x16xf32> to vector<16xf32>
      %get3A_279 = arith.index_cast %add3A_242 : i32 to index
      %get3A_280 = arith.constant 80 : index
      %get3A_281 = tpu.vector_load %arg9[%get3A_279, %get3A_280] {strides = array<i32>} : memref<32x128xf32, #tpu.memory_space<vmem>>, vector<1x16xf32>,
      %get3A_282 = vector.shape_cast %get3A_281 : vector<1x16xf32> to vector<16xf32>
      %get3A_283 = arith.index_cast %add3A_242 : i32 to index
      %get3A_284 = arith.constant 96 : index
      %get3A_285 = tpu.vector_load %arg9[%get3A_283, %get3A_284] {strides = array<i32>} : memref<32x128xf32, #tpu.memory_space<vmem>>, vector<1x16xf32>,
      %get3A_286 = vector.shape_cast %get3A_285 : vector<1x16xf32> to vector<16xf32>
      %get3A_287 = arith.index_cast %add3A_242 : i32 to index
      %get3A_288 = arith.constant 112 : index
      %get3A_289 = tpu.vector_load %arg9[%get3A_287, %get3A_288] {strides = array<i32>} : memref<32x128xf32, #tpu.memory_space<vmem>>, vector<1x16xf32>,
      %get3A_290 = vector.shape_cast %get3A_289 : vector<1x16xf32> to vector<16xf32>
      %scan3A_291 = arith.constant 0 : i32
      %scan3A_292 = arith.constant 0 : i32
      %scan3A_293 = arith.constant 200 : i32
      %scan3A_294 = arith.addi %scan3A_292, %scan3A_293 : i32
      %scan3A_295 = arith.constant 1 : i32
      scf.for %scan3A_379 = %scan3A_292 to %scan3A_294 step %scan3A_295  : i32 {
        %get3A_380 = arith.index_cast %scan3A_379 : i32 to index
        %get3A_381 = arith.constant 0 : index
        %get3A_382 = tpu.vector_load %arg12[%get3A_380, %get3A_381] {strides = array<i32>} : memref<200x128xf32, #tpu.memory_space<vmem>>, vector<1x16xf32>,
        %get3A_383 = vector.shape_cast %get3A_382 : vector<1x16xf32> to vector<16xf32>
        %add3A_384 = arith.addf %get3A_383, %get3A_262 : vector<16xf32>
        %swap3A = arith.index_cast %scan3A_379 : i32 to index
        %swap3A_385 = arith.constant 0 : index
        %swap3A_386 = tpu.vector_load %arg12[%swap3A, %swap3A_385] {strides = array<i32>} : memref<200x128xf32, #tpu.memory_space<vmem>>, vector<1x16xf32>,
        %swap3A_387 = vector.shape_cast %swap3A_386 : vector<1x16xf32> to vector<16xf32>
        %swap3A_388 = vector.shape_cast %add3A_384 : vector<16xf32> to vector<1x16xf32>
        tpu.vector_store %arg12[%swap3A, %swap3A_385], %swap3A_388 {strides = array<i32>} : memref<200x128xf32, #tpu.memory_space<vmem>>, vector<1x16xf32>,
        %get3A_389 = arith.index_cast %scan3A_379 : i32 to index
        %get3A_390 = arith.constant 16 : index
        %get3A_391 = tpu.vector_load %arg12[%get3A_389, %get3A_390] {strides = array<i32>} : memref<200x128xf32, #tpu.memory_space<vmem>>, vector<1x16xf32>,
        %get3A_392 = vector.shape_cast %get3A_391 : vector<1x16xf32> to vector<16xf32>
        %add3A_393 = arith.addf %get3A_392, %get3A_266 : vector<16xf32>
        %swap3A_394 = arith.index_cast %scan3A_379 : i32 to index
        %swap3A_395 = arith.constant 16 : index
        %swap3A_396 = tpu.vector_load %arg12[%swap3A_394, %swap3A_395] {strides = array<i32>} : memref<200x128xf32, #tpu.memory_space<vmem>>, vector<1x16xf32>,
        %swap3A_397 = vector.shape_cast %swap3A_396 : vector<1x16xf32> to vector<16xf32>
        %swap3A_398 = vector.shape_cast %add3A_393 : vector<16xf32> to vector<1x16xf32>
        tpu.vector_store %arg12[%swap3A_394, %swap3A_395], %swap3A_398 {strides = array<i32>} : memref<200x128xf32, #tpu.memory_space<vmem>>, vector<1x16xf32>,
        %get3A_399 = arith.index_cast %scan3A_379 : i32 to index
        %get3A_400 = arith.constant 32 : index
        %get3A_401 = tpu.vector_load %arg12[%get3A_399, %get3A_400] {strides = array<i32>} : memref<200x128xf32, #tpu.memory_space<vmem>>, vector<1x16xf32>,
        %get3A_402 = vector.shape_cast %get3A_401 : vector<1x16xf32> to vector<16xf32>
        %add3A_403 = arith.addf %get3A_402, %get3A_270 : vector<16xf32>
        %swap3A_404 = arith.index_cast %scan3A_379 : i32 to index
        %swap3A_405 = arith.constant 32 : index
        %swap3A_406 = tpu.vector_load %arg12[%swap3A_404, %swap3A_405] {strides = array<i32>} : memref<200x128xf32, #tpu.memory_space<vmem>>, vector<1x16xf32>,
        %swap3A_407 = vector.shape_cast %swap3A_406 : vector<1x16xf32> to vector<16xf32>
        %swap3A_408 = vector.shape_cast %add3A_403 : vector<16xf32> to vector<1x16xf32>
        tpu.vector_store %arg12[%swap3A_404, %swap3A_405], %swap3A_408 {strides = array<i32>} : memref<200x128xf32, #tpu.memory_space<vmem>>, vector<1x16xf32>,
        %get3A_409 = arith.index_cast %scan3A_379 : i32 to index
        %get3A_410 = arith.constant 48 : index
        %get3A_411 = tpu.vector_load %arg12[%get3A_409, %get3A_410] {strides = array<i32>} : memref<200x128xf32, #tpu.memory_space<vmem>>, vector<1x16xf32>,
        %get3A_412 = vector.shape_cast %get3A_411 : vector<1x16xf32> to vector<16xf32>
        %add3A_413 = arith.addf %get3A_412, %get3A_274 : vector<16xf32>
        %swap3A_414 = arith.index_cast %scan3A_379 : i32 to index
        %swap3A_415 = arith.constant 48 : index
        %swap3A_416 = tpu.vector_load %arg12[%swap3A_414, %swap3A_415] {strides = array<i32>} : memref<200x128xf32, #tpu.memory_space<vmem>>, vector<1x16xf32>,
        %swap3A_417 = vector.shape_cast %swap3A_416 : vector<1x16xf32> to vector<16xf32>
        %swap3A_418 = vector.shape_cast %add3A_413 : vector<16xf32> to vector<1x16xf32>
        tpu.vector_store %arg12[%swap3A_414, %swap3A_415], %swap3A_418 {strides = array<i32>} : memref<200x128xf32, #tpu.memory_space<vmem>>, vector<1x16xf32>,
        %get3A_419 = arith.index_cast %scan3A_379 : i32 to index
        %get3A_420 = arith.constant 64 : index
        %get3A_421 = tpu.vector_load %arg12[%get3A_419, %get3A_420] {strides = array<i32>} : memref<200x128xf32, #tpu.memory_space<vmem>>, vector<1x16xf32>,
        %get3A_422 = vector.shape_cast %get3A_421 : vector<1x16xf32> to vector<16xf32>
        %add3A_423 = arith.addf %get3A_422, %get3A_278 : vector<16xf32>
        %swap3A_424 = arith.index_cast %scan3A_379 : i32 to index
        %swap3A_425 = arith.constant 64 : index
        %swap3A_426 = tpu.vector_load %arg12[%swap3A_424, %swap3A_425] {strides = array<i32>} : memref<200x128xf32, #tpu.memory_space<vmem>>, vector<1x16xf32>,
        %swap3A_427 = vector.shape_cast %swap3A_426 : vector<1x16xf32> to vector<16xf32>
        %swap3A_428 = vector.shape_cast %add3A_423 : vector<16xf32> to vector<1x16xf32>
        tpu.vector_store %arg12[%swap3A_424, %swap3A_425], %swap3A_428 {strides = array<i32>} : memref<200x128xf32, #tpu.memory_space<vmem>>, vector<1x16xf32>,
        %get3A_429 = arith.index_cast %scan3A_379 : i32 to index
        %get3A_430 = arith.constant 80 : index
        %get3A_431 = tpu.vector_load %arg12[%get3A_429, %get3A_430] {strides = array<i32>} : memref<200x128xf32, #tpu.memory_space<vmem>>, vector<1x16xf32>,
        %get3A_432 = vector.shape_cast %get3A_431 : vector<1x16xf32> to vector<16xf32>
        %add3A_433 = arith.addf %get3A_432, %get3A_282 : vector<16xf32>
        %swap3A_434 = arith.index_cast %scan3A_379 : i32 to index
        %swap3A_435 = arith.constant 80 : index
        %swap3A_436 = tpu.vector_load %arg12[%swap3A_434, %swap3A_435] {strides = array<i32>} : memref<200x128xf32, #tpu.memory_space<vmem>>, vector<1x16xf32>,
        %swap3A_437 = vector.shape_cast %swap3A_436 : vector<1x16xf32> to vector<16xf32>
        %swap3A_438 = vector.shape_cast %add3A_433 : vector<16xf32> to vector<1x16xf32>
        tpu.vector_store %arg12[%swap3A_434, %swap3A_435], %swap3A_438 {strides = array<i32>} : memref<200x128xf32, #tpu.memory_space<vmem>>, vector<1x16xf32>,
        %get3A_439 = arith.index_cast %scan3A_379 : i32 to index
        %get3A_440 = arith.constant 96 : index
        %get3A_441 = tpu.vector_load %arg12[%get3A_439, %get3A_440] {strides = array<i32>} : memref<200x128xf32, #tpu.memory_space<vmem>>, vector<1x16xf32>,
        %get3A_442 = vector.shape_cast %get3A_441 : vector<1x16xf32> to vector<16xf32>
        %add3A_443 = arith.addf %get3A_442, %get3A_286 : vector<16xf32>
        %swap3A_444 = arith.index_cast %scan3A_379 : i32 to index
        %swap3A_445 = arith.constant 96 : index
        %swap3A_446 = tpu.vector_load %arg12[%swap3A_444, %swap3A_445] {strides = array<i32>} : memref<200x128xf32, #tpu.memory_space<vmem>>, vector<1x16xf32>,
        %swap3A_447 = vector.shape_cast %swap3A_446 : vector<1x16xf32> to vector<16xf32>
        %swap3A_448 = vector.shape_cast %add3A_443 : vector<16xf32> to vector<1x16xf32>
        tpu.vector_store %arg12[%swap3A_444, %swap3A_445], %swap3A_448 {strides = array<i32>} : memref<200x128xf32, #tpu.memory_space<vmem>>, vector<1x16xf32>,
        %get3A_449 = arith.index_cast %scan3A_379 : i32 to index
        %get3A_450 = arith.constant 112 : index
        %get3A_451 = tpu.vector_load %arg12[%get3A_449, %get3A_450] {strides = array<i32>} : memref<200x128xf32, #tpu.memory_space<vmem>>, vector<1x16xf32>,
        %get3A_452 = vector.shape_cast %get3A_451 : vector<1x16xf32> to vector<16xf32>
        %add3A_453 = arith.addf %get3A_452, %get3A_290 : vector<16xf32>
        %swap3A_454 = arith.index_cast %scan3A_379 : i32 to index
        %swap3A_455 = arith.constant 112 : index
        %swap3A_456 = tpu.vector_load %arg12[%swap3A_454, %swap3A_455] {strides = array<i32>} : memref<200x128xf32, #tpu.memory_space<vmem>>, vector<1x16xf32>,
        %swap3A_457 = vector.shape_cast %swap3A_456 : vector<1x16xf32> to vector<16xf32>
        %swap3A_458 = vector.shape_cast %add3A_453 : vector<16xf32> to vector<1x16xf32>
        tpu.vector_store %arg12[%swap3A_454, %swap3A_455], %swap3A_458 {strides = array<i32>} : memref<200x128xf32, #tpu.memory_space<vmem>>, vector<1x16xf32>,
      }
      %scan3A_296 = arith.constant 200 : i32
      %add3A_297 = arith.addi %mul3A_4, %add3A_242 : i32
      %mul3A_298 = arith.constant 200 : i32
      %mul3A_299 = arith.muli %add3A_297, %mul3A_298 : i32
      %dma_start3A_300 = arith.constant 0 : i32
      %dma_start3A_301 = tpu.memref_slice %arg6[%mul3A_299, %dma_start3A_300] : memref<204800x128xf32, #tpu.memory_space<hbm>> -> memref<200x128xf32, #tpu.memory_space<hbm>>
      %dma_start3A_302 = arith.constant 0 : i32
      %dma_start3A_303 = tpu.memref_slice %arg6[%mul3A_299, %dma_start3A_302] : memref<204800x128xf32, #tpu.memory_space<hbm>> -> memref<200x128xf32, #tpu.memory_space<hbm>>
      tpu.enqueue_dma source(%arg12 : memref<200x128xf32, #tpu.memory_space<vmem>>) target(%dma_start3A_303 : memref<200x128xf32, #tpu.memory_space<hbm>>) target_semaphore(%arg20 : memref<!tpu.dma_semaphore, #tpu.memory_space<semaphore_mem>>)
      %lt3A_304 = arith.constant 7 : i32
      %lt3A_305 = arith.cmpi slt, %scan3A_102, %lt3A_304 : i32
      %convert_element_type3A_306 = arith.extui %lt3A_305 : i1 to i32
      %cond3A_307 = arith.constant 0 : i32
      %cond3A_308 = arith.cmpi ne, %convert_element_type3A_306, %cond3A_307 : i32
      scf.if %cond3A_308 {
        %dma_wait3A_379 = arith.constant 0 : i32
        %dma_wait3A_380 = arith.constant 0 : i32
        %dma_wait3A_381 = tpu.memref_slice %arg6[%dma_wait3A_379, %dma_wait3A_380] : memref<204800x128xf32, #tpu.memory_space<hbm>> -> memref<200x128xf32, #tpu.memory_space<hbm>>
        %dma_wait3A_382 = arith.constant 0 : i32
        %dma_wait3A_383 = arith.constant 0 : i32
        %dma_wait3A_384 = tpu.memref_slice %arg6[%dma_wait3A_382, %dma_wait3A_383] : memref<204800x128xf32, #tpu.memory_space<hbm>> -> memref<200x128xf32, #tpu.memory_space<hbm>>
        tpu.wait_dma2 semaphore(%arg20 : memref<!tpu.dma_semaphore, #tpu.memory_space<semaphore_mem>>) src(%arg12 : memref<200x128xf32, #tpu.memory_space<vmem>>) dst(%dma_wait3A_384 : memref<200x128xf32, #tpu.memory_space<hbm>>)
        %add3A_385 = arith.constant 4 : i32
        %add3A_386 = arith.addi %add3A_242, %add3A_385 : i32
        %mul3A_387 = arith.constant 200 : i32
        %mul3A_388 = arith.muli %add3A_386, %mul3A_387 : i32
        %dma_start3A_389 = arith.constant 0 : i32
        %dma_start3A_390 = arith.constant 0 : i32
        %dma_start3A_391 = tpu.memref_slice %arg12[%dma_start3A_389, %dma_start3A_390] : memref<200x128xf32, #tpu.memory_space<vmem>> -> memref<128x128xf32, #tpu.memory_space<vmem>>
        %dma_start3A_392 = tpu.memref_slice %arg7[%mul3A_388] : memref<6400xi32, #tpu.memory_space<vmem>> -> memref<128xi32, #tpu.memory_space<vmem>>
        %dma_start3A_393 = arith.constant 0 : i32
        %dma_start3A_394 = arith.constant 0 : i32
        %dma_start3A_395 = tpu.memref_slice %arg4[%dma_start3A_393, %dma_start3A_394] : memref<100000x128xf32, #tpu.memory_space<hbm>> -> memref<100000x128xf32, #tpu.memory_space<hbm>>
        tpu.enqueue_indirect_dma source(%dma_start3A_395 : memref<100000x128xf32, #tpu.memory_space<hbm>>) target(%dma_start3A_391 : memref<128x128xf32, #tpu.memory_space<vmem>>) offsets(%dma_start3A_392 : memref<128xi32, #tpu.memory_space<vmem>>) semaphore(%arg16 : memref<!tpu.dma_semaphore, #tpu.memory_space<semaphore_mem>>)
        %add3A_396 = arith.constant 128 : i32
        %add3A_397 = arith.addi %mul3A_388, %add3A_396 : i32
        %dma_start3A_398 = arith.constant 128 : i32
        %dma_start3A_399 = arith.constant 0 : i32
        %dma_start3A_400 = tpu.memref_slice %arg12[%dma_start3A_398, %dma_start3A_399] : memref<200x128xf32, #tpu.memory_space<vmem>> -> memref<72x128xf32, #tpu.memory_space<vmem>>
        %dma_start3A_401 = tpu.memref_slice %arg7[%add3A_397] : memref<6400xi32, #tpu.memory_space<vmem>> -> memref<72xi32, #tpu.memory_space<vmem>>
        %dma_start3A_402 = arith.constant 0 : i32
        %dma_start3A_403 = arith.constant 0 : i32
        %dma_start3A_404 = tpu.memref_slice %arg4[%dma_start3A_402, %dma_start3A_403] : memref<100000x128xf32, #tpu.memory_space<hbm>> -> memref<100000x128xf32, #tpu.memory_space<hbm>>
        tpu.enqueue_indirect_dma source(%dma_start3A_404 : memref<100000x128xf32, #tpu.memory_space<hbm>>) target(%dma_start3A_400 : memref<72x128xf32, #tpu.memory_space<vmem>>) offsets(%dma_start3A_401 : memref<72xi32, #tpu.memory_space<vmem>>) semaphore(%arg16 : memref<!tpu.dma_semaphore, #tpu.memory_space<semaphore_mem>>)
      } else {
      }
      %mul3A_309 = arith.constant 4 : i32
      %mul3A_310 = arith.muli %scan3A_102, %mul3A_309 : i32
      %add3A_311 = arith.constant 3 : i32
      %add3A_312 = arith.addi %mul3A_310, %add3A_311 : i32
      %dma_wait3A_313 = arith.constant 0 : i32
      %dma_wait3A_314 = arith.constant 0 : i32
      %dma_wait3A_315 = tpu.memref_slice %arg13[%dma_wait3A_313, %dma_wait3A_314] : memref<200x128xf32, #tpu.memory_space<vmem>> -> memref<128x128xf32, #tpu.memory_space<vmem>>
      %dma_wait3A_316 = arith.constant 0 : i32
      %dma_wait3A_317 = tpu.memref_slice %arg7[%dma_wait3A_316] : memref<6400xi32, #tpu.memory_space<vmem>> -> memref<128xi32, #tpu.memory_space<vmem>>
      %dma_wait3A_318 = arith.constant 0 : i32
      %dma_wait3A_319 = arith.constant 0 : i32
      %dma_wait3A_320 = tpu.memref_slice %arg4[%dma_wait3A_318, %dma_wait3A_319] : memref<100000x128xf32, #tpu.memory_space<hbm>> -> memref<100000x128xf32, #tpu.memory_space<hbm>>
      tpu.wait_indirect_dma semaphore(%arg17 : memref<!tpu.dma_semaphore, #tpu.memory_space<semaphore_mem>>) src(%dma_wait3A_320 : memref<100000x128xf32, #tpu.memory_space<hbm>>) dst(%dma_wait3A_315 : memref<128x128xf32, #tpu.memory_space<vmem>>)
      %dma_wait3A_321 = arith.constant 128 : i32
      %dma_wait3A_322 = arith.constant 0 : i32
      %dma_wait3A_323 = tpu.memref_slice %arg13[%dma_wait3A_321, %dma_wait3A_322] : memref<200x128xf32, #tpu.memory_space<vmem>> -> memref<72x128xf32, #tpu.memory_space<vmem>>
      %dma_wait3A_324 = arith.constant 0 : i32
      %dma_wait3A_325 = tpu.memref_slice %arg7[%dma_wait3A_324] : memref<6400xi32, #tpu.memory_space<vmem>> -> memref<72xi32, #tpu.memory_space<vmem>>
      %dma_wait3A_326 = arith.constant 0 : i32
      %dma_wait3A_327 = arith.constant 0 : i32
      %dma_wait3A_328 = tpu.memref_slice %arg4[%dma_wait3A_326, %dma_wait3A_327] : memref<100000x128xf32, #tpu.memory_space<hbm>> -> memref<100000x128xf32, #tpu.memory_space<hbm>>
      tpu.wait_indirect_dma semaphore(%arg17 : memref<!tpu.dma_semaphore, #tpu.memory_space<semaphore_mem>>) src(%dma_wait3A_328 : memref<100000x128xf32, #tpu.memory_space<hbm>>) dst(%dma_wait3A_323 : memref<72x128xf32, #tpu.memory_space<vmem>>)
      %get3A_329 = arith.index_cast %add3A_312 : i32 to index
      %get3A_330 = arith.constant 0 : index
      %get3A_331 = tpu.vector_load %arg9[%get3A_329, %get3A_330] {strides = array<i32>} : memref<32x128xf32, #tpu.memory_space<vmem>>, vector<1x16xf32>,
      %get3A_332 = vector.shape_cast %get3A_331 : vector<1x16xf32> to vector<16xf32>
      %get3A_333 = arith.index_cast %add3A_312 : i32 to index
      %get3A_334 = arith.constant 16 : index
      %get3A_335 = tpu.vector_load %arg9[%get3A_333, %get3A_334] {strides = array<i32>} : memref<32x128xf32, #tpu.memory_space<vmem>>, vector<1x16xf32>,
      %get3A_336 = vector.shape_cast %get3A_335 : vector<1x16xf32> to vector<16xf32>
      %get3A_337 = arith.index_cast %add3A_312 : i32 to index
      %get3A_338 = arith.constant 32 : index
      %get3A_339 = tpu.vector_load %arg9[%get3A_337, %get3A_338] {strides = array<i32>} : memref<32x128xf32, #tpu.memory_space<vmem>>, vector<1x16xf32>,
      %get3A_340 = vector.shape_cast %get3A_339 : vector<1x16xf32> to vector<16xf32>
      %get3A_341 = arith.index_cast %add3A_312 : i32 to index
      %get3A_342 = arith.constant 48 : index
      %get3A_343 = tpu.vector_load %arg9[%get3A_341, %get3A_342] {strides = array<i32>} : memref<32x128xf32, #tpu.memory_space<vmem>>, vector<1x16xf32>,
      %get3A_344 = vector.shape_cast %get3A_343 : vector<1x16xf32> to vector<16xf32>
      %get3A_345 = arith.index_cast %add3A_312 : i32 to index
      %get3A_346 = arith.constant 64 : index
      %get3A_347 = tpu.vector_load %arg9[%get3A_345, %get3A_346] {strides = array<i32>} : memref<32x128xf32, #tpu.memory_space<vmem>>, vector<1x16xf32>,
      %get3A_348 = vector.shape_cast %get3A_347 : vector<1x16xf32> to vector<16xf32>
      %get3A_349 = arith.index_cast %add3A_312 : i32 to index
      %get3A_350 = arith.constant 80 : index
      %get3A_351 = tpu.vector_load %arg9[%get3A_349, %get3A_350] {strides = array<i32>} : memref<32x128xf32, #tpu.memory_space<vmem>>, vector<1x16xf32>,
      %get3A_352 = vector.shape_cast %get3A_351 : vector<1x16xf32> to vector<16xf32>
      %get3A_353 = arith.index_cast %add3A_312 : i32 to index
      %get3A_354 = arith.constant 96 : index
      %get3A_355 = tpu.vector_load %arg9[%get3A_353, %get3A_354] {strides = array<i32>} : memref<32x128xf32, #tpu.memory_space<vmem>>, vector<1x16xf32>,
      %get3A_356 = vector.shape_cast %get3A_355 : vector<1x16xf32> to vector<16xf32>
      %get3A_357 = arith.index_cast %add3A_312 : i32 to index
      %get3A_358 = arith.constant 112 : index
      %get3A_359 = tpu.vector_load %arg9[%get3A_357, %get3A_358] {strides = array<i32>} : memref<32x128xf32, #tpu.memory_space<vmem>>, vector<1x16xf32>,
      %get3A_360 = vector.shape_cast %get3A_359 : vector<1x16xf32> to vector<16xf32>
      %scan3A_361 = arith.constant 0 : i32
      %scan3A_362 = arith.constant 0 : i32
      %scan3A_363 = arith.constant 200 : i32
      %scan3A_364 = arith.addi %scan3A_362, %scan3A_363 : i32
      %scan3A_365 = arith.constant 1 : i32
      scf.for %scan3A_379 = %scan3A_362 to %scan3A_364 step %scan3A_365  : i32 {
        %get3A_380 = arith.index_cast %scan3A_379 : i32 to index
        %get3A_381 = arith.constant 0 : index
        %get3A_382 = tpu.vector_load %arg13[%get3A_380, %get3A_381] {strides = array<i32>} : memref<200x128xf32, #tpu.memory_space<vmem>>, vector<1x16xf32>,
        %get3A_383 = vector.shape_cast %get3A_382 : vector<1x16xf32> to vector<16xf32>
        %add3A_384 = arith.addf %get3A_383, %get3A_332 : vector<16xf32>
        %swap3A = arith.index_cast %scan3A_379 : i32 to index
        %swap3A_385 = arith.constant 0 : index
        %swap3A_386 = tpu.vector_load %arg13[%swap3A, %swap3A_385] {strides = array<i32>} : memref<200x128xf32, #tpu.memory_space<vmem>>, vector<1x16xf32>,
        %swap3A_387 = vector.shape_cast %swap3A_386 : vector<1x16xf32> to vector<16xf32>
        %swap3A_388 = vector.shape_cast %add3A_384 : vector<16xf32> to vector<1x16xf32>
        tpu.vector_store %arg13[%swap3A, %swap3A_385], %swap3A_388 {strides = array<i32>} : memref<200x128xf32, #tpu.memory_space<vmem>>, vector<1x16xf32>,
        %get3A_389 = arith.index_cast %scan3A_379 : i32 to index
        %get3A_390 = arith.constant 16 : index
        %get3A_391 = tpu.vector_load %arg13[%get3A_389, %get3A_390] {strides = array<i32>} : memref<200x128xf32, #tpu.memory_space<vmem>>, vector<1x16xf32>,
        %get3A_392 = vector.shape_cast %get3A_391 : vector<1x16xf32> to vector<16xf32>
        %add3A_393 = arith.addf %get3A_392, %get3A_336 : vector<16xf32>
        %swap3A_394 = arith.index_cast %scan3A_379 : i32 to index
        %swap3A_395 = arith.constant 16 : index
        %swap3A_396 = tpu.vector_load %arg13[%swap3A_394, %swap3A_395] {strides = array<i32>} : memref<200x128xf32, #tpu.memory_space<vmem>>, vector<1x16xf32>,
        %swap3A_397 = vector.shape_cast %swap3A_396 : vector<1x16xf32> to vector<16xf32>
        %swap3A_398 = vector.shape_cast %add3A_393 : vector<16xf32> to vector<1x16xf32>
        tpu.vector_store %arg13[%swap3A_394, %swap3A_395], %swap3A_398 {strides = array<i32>} : memref<200x128xf32, #tpu.memory_space<vmem>>, vector<1x16xf32>,
        %get3A_399 = arith.index_cast %scan3A_379 : i32 to index
        %get3A_400 = arith.constant 32 : index
        %get3A_401 = tpu.vector_load %arg13[%get3A_399, %get3A_400] {strides = array<i32>} : memref<200x128xf32, #tpu.memory_space<vmem>>, vector<1x16xf32>,
        %get3A_402 = vector.shape_cast %get3A_401 : vector<1x16xf32> to vector<16xf32>
        %add3A_403 = arith.addf %get3A_402, %get3A_340 : vector<16xf32>
        %swap3A_404 = arith.index_cast %scan3A_379 : i32 to index
        %swap3A_405 = arith.constant 32 : index
        %swap3A_406 = tpu.vector_load %arg13[%swap3A_404, %swap3A_405] {strides = array<i32>} : memref<200x128xf32, #tpu.memory_space<vmem>>, vector<1x16xf32>,
        %swap3A_407 = vector.shape_cast %swap3A_406 : vector<1x16xf32> to vector<16xf32>
        %swap3A_408 = vector.shape_cast %add3A_403 : vector<16xf32> to vector<1x16xf32>
        tpu.vector_store %arg13[%swap3A_404, %swap3A_405], %swap3A_408 {strides = array<i32>} : memref<200x128xf32, #tpu.memory_space<vmem>>, vector<1x16xf32>,
        %get3A_409 = arith.index_cast %scan3A_379 : i32 to index
        %get3A_410 = arith.constant 48 : index
        %get3A_411 = tpu.vector_load %arg13[%get3A_409, %get3A_410] {strides = array<i32>} : memref<200x128xf32, #tpu.memory_space<vmem>>, vector<1x16xf32>,
        %get3A_412 = vector.shape_cast %get3A_411 : vector<1x16xf32> to vector<16xf32>
        %add3A_413 = arith.addf %get3A_412, %get3A_344 : vector<16xf32>
        %swap3A_414 = arith.index_cast %scan3A_379 : i32 to index
        %swap3A_415 = arith.constant 48 : index
        %swap3A_416 = tpu.vector_load %arg13[%swap3A_414, %swap3A_415] {strides = array<i32>} : memref<200x128xf32, #tpu.memory_space<vmem>>, vector<1x16xf32>,
        %swap3A_417 = vector.shape_cast %swap3A_416 : vector<1x16xf32> to vector<16xf32>
        %swap3A_418 = vector.shape_cast %add3A_413 : vector<16xf32> to vector<1x16xf32>
        tpu.vector_store %arg13[%swap3A_414, %swap3A_415], %swap3A_418 {strides = array<i32>} : memref<200x128xf32, #tpu.memory_space<vmem>>, vector<1x16xf32>,
        %get3A_419 = arith.index_cast %scan3A_379 : i32 to index
        %get3A_420 = arith.constant 64 : index
        %get3A_421 = tpu.vector_load %arg13[%get3A_419, %get3A_420] {strides = array<i32>} : memref<200x128xf32, #tpu.memory_space<vmem>>, vector<1x16xf32>,
        %get3A_422 = vector.shape_cast %get3A_421 : vector<1x16xf32> to vector<16xf32>
        %add3A_423 = arith.addf %get3A_422, %get3A_348 : vector<16xf32>
        %swap3A_424 = arith.index_cast %scan3A_379 : i32 to index
        %swap3A_425 = arith.constant 64 : index
        %swap3A_426 = tpu.vector_load %arg13[%swap3A_424, %swap3A_425] {strides = array<i32>} : memref<200x128xf32, #tpu.memory_space<vmem>>, vector<1x16xf32>,
        %swap3A_427 = vector.shape_cast %swap3A_426 : vector<1x16xf32> to vector<16xf32>
        %swap3A_428 = vector.shape_cast %add3A_423 : vector<16xf32> to vector<1x16xf32>
        tpu.vector_store %arg13[%swap3A_424, %swap3A_425], %swap3A_428 {strides = array<i32>} : memref<200x128xf32, #tpu.memory_space<vmem>>, vector<1x16xf32>,
        %get3A_429 = arith.index_cast %scan3A_379 : i32 to index
        %get3A_430 = arith.constant 80 : index
        %get3A_431 = tpu.vector_load %arg13[%get3A_429, %get3A_430] {strides = array<i32>} : memref<200x128xf32, #tpu.memory_space<vmem>>, vector<1x16xf32>,
        %get3A_432 = vector.shape_cast %get3A_431 : vector<1x16xf32> to vector<16xf32>
        %add3A_433 = arith.addf %get3A_432, %get3A_352 : vector<16xf32>
        %swap3A_434 = arith.index_cast %scan3A_379 : i32 to index
        %swap3A_435 = arith.constant 80 : index
        %swap3A_436 = tpu.vector_load %arg13[%swap3A_434, %swap3A_435] {strides = array<i32>} : memref<200x128xf32, #tpu.memory_space<vmem>>, vector<1x16xf32>,
        %swap3A_437 = vector.shape_cast %swap3A_436 : vector<1x16xf32> to vector<16xf32>
        %swap3A_438 = vector.shape_cast %add3A_433 : vector<16xf32> to vector<1x16xf32>
        tpu.vector_store %arg13[%swap3A_434, %swap3A_435], %swap3A_438 {strides = array<i32>} : memref<200x128xf32, #tpu.memory_space<vmem>>, vector<1x16xf32>,
        %get3A_439 = arith.index_cast %scan3A_379 : i32 to index
        %get3A_440 = arith.constant 96 : index
        %get3A_441 = tpu.vector_load %arg13[%get3A_439, %get3A_440] {strides = array<i32>} : memref<200x128xf32, #tpu.memory_space<vmem>>, vector<1x16xf32>,
        %get3A_442 = vector.shape_cast %get3A_441 : vector<1x16xf32> to vector<16xf32>
        %add3A_443 = arith.addf %get3A_442, %get3A_356 : vector<16xf32>
        %swap3A_444 = arith.index_cast %scan3A_379 : i32 to index
        %swap3A_445 = arith.constant 96 : index
        %swap3A_446 = tpu.vector_load %arg13[%swap3A_444, %swap3A_445] {strides = array<i32>} : memref<200x128xf32, #tpu.memory_space<vmem>>, vector<1x16xf32>,
        %swap3A_447 = vector.shape_cast %swap3A_446 : vector<1x16xf32> to vector<16xf32>
        %swap3A_448 = vector.shape_cast %add3A_443 : vector<16xf32> to vector<1x16xf32>
        tpu.vector_store %arg13[%swap3A_444, %swap3A_445], %swap3A_448 {strides = array<i32>} : memref<200x128xf32, #tpu.memory_space<vmem>>, vector<1x16xf32>,
        %get3A_449 = arith.index_cast %scan3A_379 : i32 to index
        %get3A_450 = arith.constant 112 : index
        %get3A_451 = tpu.vector_load %arg13[%get3A_449, %get3A_450] {strides = array<i32>} : memref<200x128xf32, #tpu.memory_space<vmem>>, vector<1x16xf32>,
        %get3A_452 = vector.shape_cast %get3A_451 : vector<1x16xf32> to vector<16xf32>
        %add3A_453 = arith.addf %get3A_452, %get3A_360 : vector<16xf32>
        %swap3A_454 = arith.index_cast %scan3A_379 : i32 to index
        %swap3A_455 = arith.constant 112 : index
        %swap3A_456 = tpu.vector_load %arg13[%swap3A_454, %swap3A_455] {strides = array<i32>} : memref<200x128xf32, #tpu.memory_space<vmem>>, vector<1x16xf32>,
        %swap3A_457 = vector.shape_cast %swap3A_456 : vector<1x16xf32> to vector<16xf32>
        %swap3A_458 = vector.shape_cast %add3A_453 : vector<16xf32> to vector<1x16xf32>
        tpu.vector_store %arg13[%swap3A_454, %swap3A_455], %swap3A_458 {strides = array<i32>} : memref<200x128xf32, #tpu.memory_space<vmem>>, vector<1x16xf32>,
      }
      %scan3A_366 = arith.constant 200 : i32
      %add3A_367 = arith.addi %mul3A_4, %add3A_312 : i32
      %mul3A_368 = arith.constant 200 : i32
      %mul3A_369 = arith.muli %add3A_367, %mul3A_368 : i32
      %dma_start3A_370 = arith.constant 0 : i32
      %dma_start3A_371 = tpu.memref_slice %arg6[%mul3A_369, %dma_start3A_370] : memref<204800x128xf32, #tpu.memory_space<hbm>> -> memref<200x128xf32, #tpu.memory_space<hbm>>
      %dma_start3A_372 = arith.constant 0 : i32
      %dma_start3A_373 = tpu.memref_slice %arg6[%mul3A_369, %dma_start3A_372] : memref<204800x128xf32, #tpu.memory_space<hbm>> -> memref<200x128xf32, #tpu.memory_space<hbm>>
      tpu.enqueue_dma source(%arg13 : memref<200x128xf32, #tpu.memory_space<vmem>>) target(%dma_start3A_373 : memref<200x128xf32, #tpu.memory_space<hbm>>) target_semaphore(%arg21 : memref<!tpu.dma_semaphore, #tpu.memory_space<semaphore_mem>>)
      %lt3A_374 = arith.constant 7 : i32
      %lt3A_375 = arith.cmpi slt, %scan3A_102, %lt3A_374 : i32
      %convert_element_type3A_376 = arith.extui %lt3A_375 : i1 to i32
      %cond3A_377 = arith.constant 0 : i32
      %cond3A_378 = arith.cmpi ne, %convert_element_type3A_376, %cond3A_377 : i32
      scf.if %cond3A_378 {
        %dma_wait3A_379 = arith.constant 0 : i32
        %dma_wait3A_380 = arith.constant 0 : i32
        %dma_wait3A_381 = tpu.memref_slice %arg6[%dma_wait3A_379, %dma_wait3A_380] : memref<204800x128xf32, #tpu.memory_space<hbm>> -> memref<200x128xf32, #tpu.memory_space<hbm>>
        %dma_wait3A_382 = arith.constant 0 : i32
        %dma_wait3A_383 = arith.constant 0 : i32
        %dma_wait3A_384 = tpu.memref_slice %arg6[%dma_wait3A_382, %dma_wait3A_383] : memref<204800x128xf32, #tpu.memory_space<hbm>> -> memref<200x128xf32, #tpu.memory_space<hbm>>
        tpu.wait_dma2 semaphore(%arg21 : memref<!tpu.dma_semaphore, #tpu.memory_space<semaphore_mem>>) src(%arg13 : memref<200x128xf32, #tpu.memory_space<vmem>>) dst(%dma_wait3A_384 : memref<200x128xf32, #tpu.memory_space<hbm>>)
        %add3A_385 = arith.constant 4 : i32
        %add3A_386 = arith.addi %add3A_312, %add3A_385 : i32
        %mul3A_387 = arith.constant 200 : i32
        %mul3A_388 = arith.muli %add3A_386, %mul3A_387 : i32
        %dma_start3A_389 = arith.constant 0 : i32
        %dma_start3A_390 = arith.constant 0 : i32
        %dma_start3A_391 = tpu.memref_slice %arg13[%dma_start3A_389, %dma_start3A_390] : memref<200x128xf32, #tpu.memory_space<vmem>> -> memref<128x128xf32, #tpu.memory_space<vmem>>
        %dma_start3A_392 = tpu.memref_slice %arg7[%mul3A_388] : memref<6400xi32, #tpu.memory_space<vmem>> -> memref<128xi32, #tpu.memory_space<vmem>>
        %dma_start3A_393 = arith.constant 0 : i32
        %dma_start3A_394 = arith.constant 0 : i32
        %dma_start3A_395 = tpu.memref_slice %arg4[%dma_start3A_393, %dma_start3A_394] : memref<100000x128xf32, #tpu.memory_space<hbm>> -> memref<100000x128xf32, #tpu.memory_space<hbm>>
        tpu.enqueue_indirect_dma source(%dma_start3A_395 : memref<100000x128xf32, #tpu.memory_space<hbm>>) target(%dma_start3A_391 : memref<128x128xf32, #tpu.memory_space<vmem>>) offsets(%dma_start3A_392 : memref<128xi32, #tpu.memory_space<vmem>>) semaphore(%arg17 : memref<!tpu.dma_semaphore, #tpu.memory_space<semaphore_mem>>)
        %add3A_396 = arith.constant 128 : i32
        %add3A_397 = arith.addi %mul3A_388, %add3A_396 : i32
        %dma_start3A_398 = arith.constant 128 : i32
        %dma_start3A_399 = arith.constant 0 : i32
        %dma_start3A_400 = tpu.memref_slice %arg13[%dma_start3A_398, %dma_start3A_399] : memref<200x128xf32, #tpu.memory_space<vmem>> -> memref<72x128xf32, #tpu.memory_space<vmem>>
        %dma_start3A_401 = tpu.memref_slice %arg7[%add3A_397] : memref<6400xi32, #tpu.memory_space<vmem>> -> memref<72xi32, #tpu.memory_space<vmem>>
        %dma_start3A_402 = arith.constant 0 : i32
        %dma_start3A_403 = arith.constant 0 : i32
        %dma_start3A_404 = tpu.memref_slice %arg4[%dma_start3A_402, %dma_start3A_403] : memref<100000x128xf32, #tpu.memory_space<hbm>> -> memref<100000x128xf32, #tpu.memory_space<hbm>>
        tpu.enqueue_indirect_dma source(%dma_start3A_404 : memref<100000x128xf32, #tpu.memory_space<hbm>>) target(%dma_start3A_400 : memref<72x128xf32, #tpu.memory_space<vmem>>) offsets(%dma_start3A_401 : memref<72xi32, #tpu.memory_space<vmem>>) semaphore(%arg17 : memref<!tpu.dma_semaphore, #tpu.memory_space<semaphore_mem>>)
      } else {
      }
    }
    %scan3A_77 = arith.constant 8 : i32
    %dma_wait3A_78 = arith.constant 0 : i32
    %dma_wait3A_79 = arith.constant 0 : i32
    %dma_wait3A_80 = tpu.memref_slice %arg6[%dma_wait3A_78, %dma_wait3A_79] : memref<204800x128xf32, #tpu.memory_space<hbm>> -> memref<200x128xf32, #tpu.memory_space<hbm>>
    %dma_wait3A_81 = arith.constant 0 : i32
    %dma_wait3A_82 = arith.constant 0 : i32
    %dma_wait3A_83 = tpu.memref_slice %arg6[%dma_wait3A_81, %dma_wait3A_82] : memref<204800x128xf32, #tpu.memory_space<hbm>> -> memref<200x128xf32, #tpu.memory_space<hbm>>
    tpu.wait_dma2 semaphore(%arg18 : memref<!tpu.dma_semaphore, #tpu.memory_space<semaphore_mem>>) src(%arg10 : memref<200x128xf32, #tpu.memory_space<vmem>>) dst(%dma_wait3A_83 : memref<200x128xf32, #tpu.memory_space<hbm>>)
    %dma_wait3A_84 = arith.constant 0 : i32
    %dma_wait3A_85 = arith.constant 0 : i32
    %dma_wait3A_86 = tpu.memref_slice %arg6[%dma_wait3A_84, %dma_wait3A_85] : memref<204800x128xf32, #tpu.memory_space<hbm>> -> memref<200x128xf32, #tpu.memory_space<hbm>>
    %dma_wait3A_87 = arith.constant 0 : i32
    %dma_wait3A_88 = arith.constant 0 : i32
    %dma_wait3A_89 = tpu.memref_slice %arg6[%dma_wait3A_87, %dma_wait3A_88] : memref<204800x128xf32, #tpu.memory_space<hbm>> -> memref<200x128xf32, #tpu.memory_space<hbm>>
    tpu.wait_dma2 semaphore(%arg19 : memref<!tpu.dma_semaphore, #tpu.memory_space<semaphore_mem>>) src(%arg11 : memref<200x128xf32, #tpu.memory_space<vmem>>) dst(%dma_wait3A_89 : memref<200x128xf32, #tpu.memory_space<hbm>>)
    %dma_wait3A_90 = arith.constant 0 : i32
    %dma_wait3A_91 = arith.constant 0 : i32
    %dma_wait3A_92 = tpu.memref_slice %arg6[%dma_wait3A_90, %dma_wait3A_91] : memref<204800x128xf32, #tpu.memory_space<hbm>> -> memref<200x128xf32, #tpu.memory_space<hbm>>
    %dma_wait3A_93 = arith.constant 0 : i32
    %dma_wait3A_94 = arith.constant 0 : i32
    %dma_wait3A_95 = tpu.memref_slice %arg6[%dma_wait3A_93, %dma_wait3A_94] : memref<204800x128xf32, #tpu.memory_space<hbm>> -> memref<200x128xf32, #tpu.memory_space<hbm>>
    tpu.wait_dma2 semaphore(%arg20 : memref<!tpu.dma_semaphore, #tpu.memory_space<semaphore_mem>>) src(%arg12 : memref<200x128xf32, #tpu.memory_space<vmem>>) dst(%dma_wait3A_95 : memref<200x128xf32, #tpu.memory_space<hbm>>)
    %dma_wait3A_96 = arith.constant 0 : i32
    %dma_wait3A_97 = arith.constant 0 : i32
    %dma_wait3A_98 = tpu.memref_slice %arg6[%dma_wait3A_96, %dma_wait3A_97] : memref<204800x128xf32, #tpu.memory_space<hbm>> -> memref<200x128xf32, #tpu.memory_space<hbm>>
    %dma_wait3A_99 = arith.constant 0 : i32
    %dma_wait3A_100 = arith.constant 0 : i32
    %dma_wait3A_101 = tpu.memref_slice %arg6[%dma_wait3A_99, %dma_wait3A_100] : memref<204800x128xf32, #tpu.memory_space<hbm>> -> memref<200x128xf32, #tpu.memory_space<hbm>>
    tpu.wait_dma2 semaphore(%arg21 : memref<!tpu.dma_semaphore, #tpu.memory_space<semaphore_mem>>) src(%arg13 : memref<200x128xf32, #tpu.memory_space<vmem>>) dst(%dma_wait3A_101 : memref<200x128xf32, #tpu.memory_space<hbm>>)
    return
  }
}

</mosaic_0001>

<sc_bundles>
// kernel: kernel.3.cloned.1.call-start
scs
__scs_entry_jumppad:
0x0: {  	(pc) =	sbr.rel $0x88, $3  }
0x1: {  	(tag) =	ssettag $0x0;
	lr =	simm.s32 $0x1  }
0x2: {  	[smem:$0x3F9D] =	sst lr;
	_ =	strace $0xD0000000  }
0x3: {  	_ = 	snop  }
0x4: {  	_ = 	snop  }
0x5: {  	_ = 	snop  }
0x6: {  	_ = 	snop  }
0x7: {  	_ = 	snop  }
__scs_overlays_trampoline_lowered:
0x8: {  	[smem:$0x3FAC] =	sst s0  }
0x9: {  	[smem:$0x3FAD] =	sst s1  }
0xa: {  	[smem:$0x3FAE] =	sst s2  }
0xb: {  	[smem:$0x3FAF] =	sst s3  }
0xc: {  	[smem:$0x3FB0] =	sst s4  }
0xd: {  	[smem:$0x3FB1] =	sst s5  }
0xe: {  	[smem:$0x3FB2] =	sst s6  }
0xf: {  	[smem:$0x3FB3] =	sst s7  }
0x10: {  	[smem:$0x3FB4] =	sst s8  }
0x11: {  	[smem:$0x3FB5] =	sst s9;
	s0 =	simm.s32 @!p0 $0x0  }
0x12: {  	s1 =	sld [smem:$0x3F9B];
	s0 =	simm.s32 @p0 $0x1  }
0x13: {  	[smem:$0x3FB6] =	sst s0;
	s0 =	simm.s32 @!p1 $0x0  }
0x14: {  	s2 =	sld [smem:$0x3F9A];
	s0 =	simm.s32 @p1 $0x1  }
0x15: {  	[smem:$0x3FB7] =	sst s0;
	s0 =	simm.s32 @!p2 $0x0  }
0x16: {  	s3 =	sld [smem:$0x3FDB];
	s0 =	simm.s32 @p2 $0x1  }
0x17: {  	s4 =	simm.s32 $0x1BF5;
	[smem:$0x3FB9] =	sst s0  }
0x18: {  	s0 =	sld [smem:$0x3F9C];
	_ =	swait.ge [sflag:s4], $0x0  }
0x19: {  	s7 =	sld [smem:$0x3F9D]  }
0x1a: {  	s8 =	sadd.s32 $0xFFFFE003, lr  }
0x1b: {  	s9 =	sadd.s32 $0xFFFFFEF7, lr;
	s5 =	simm.s32 $0xFFFFFFFF;
	p2 =	slt.u32 s8, $0xFFFFF086  }
0x1c: {  	p1 =	slt.u32 s9, $0xF7A;
	s5 =	simm.s32 @!p2 $0x0  }
0x1d: {  	s5 =	simm.s32 @p1 $0x1;
	p0 =	seq.s32 s7, s2  }
0x1e: {  	s7 =	smul.u32 @!p0 $0xF7A, s2;
	p2 =	seq.s32 @!p0 s5, $0x0  }
0x1f: {  	s9 =	smul.u32 $0xF7A, s1;
	s8 =	simm.s32 @!p0 $0x1BF5;
	p2 =	por !p2, p0  }
0x20: {  	[sflag:s8] =	ssyncset.s32 @!p0 $0xFFFFF086;
	s6 =	sadd.s32 @!p0 s3, s7;
	s7 =	simm.s32 @!p0 $0x108  }
0x21: {  	s3 =	sadd.s32 s3, s9;
	s6 =	sadd.s32 @!p0 $0x88, s6;
	s7 =	simm.s32 @p2 $0x1082  }
0x22: {  	[simem:s7], [sflag:s8] =	dma.local @!p0 [hbm:s6], $0xF7A  }
0x23: {  	s9 =	sor.u32 $0xD0000000, s2;
	s6 =	simm.s32 $0x108;
	_ =	swait.ge @!p0 [sflag:s8], $0x0  }
0x24: {  	s3 =	sadd.s32 $0x88, s3;
	s6 =	simm.s32 @!p1 $0x1082;
	[sflag:s4] =	ssyncset.s32 $0xFFFFF086  }
0x25: {  	[simem:s6], [sflag:s4] =	dma.local [hbm:s3], $0xF7A  }
0x26: {  	[smem:$0x3F9D] =	sst s1;
	(tag) =	ssettag s2;
	_ =	strace s9  }
0x27: {  	s1 =	sld [smem:$0x3FAD]  }
0x28: {  	s2 =	sld [smem:$0x3FAE]  }
0x29: {  	s4 =	sld [smem:$0x3FB0]  }
0x2a: {  	p0 =	seq.s32 s5, $0x0;
	s5 =	sld [smem:$0x3FB1]  }
0x2b: {  	s6 =	sld [smem:$0x3FB2]  }
0x2c: {  	s7 =	sld [smem:$0x3FB3]  }
0x2d: {  	s3 =	simm.s32 $0x108;
	s8 =	sld [smem:$0x3FB4]  }
0x2e: {  	s3 =	simm.s32 @!p0 $0x1082;
	s9 =	sld [smem:$0x3FB5]  }
0x2f: {  	lr =	sadd.s32 s0, s3;
	s0 =	sld [smem:$0x3FAC]  }
0x30: {  	s3 =	sld [smem:$0x3FAF]  }
0x31: {  	[smem:$0x3FB8] =	sst s10  }
0x32: {  	s10 =	sld [smem:$0x3FB6];
	_ =	sdelay $0x3  }
0x33: {  	p0 =	seq.s32 s10, $0x1;
	s10 =	sld [smem:$0x3FB8];
	_ =	sdelay $0x3  }
0x34: {  	[smem:$0x3FB8] =	sst s10  }
0x35: {  	s10 =	sld [smem:$0x3FB7];
	_ =	sdelay $0x3  }
0x36: {  	p1 =	seq.s32 s10, $0x1;
	s10 =	sld [smem:$0x3FB8];
	_ =	sdelay $0x3  }
0x37: {  	[smem:$0x3FB8] =	sst s10  }
0x38: {  	s10 =	sld [smem:$0x3FB9]  }
0x39: {  	_ = 	snop;
	(pc) =	sbr.ind lr, $3  }
0x3a: {  	_ = 	snop  }
0x3b: {  	_ = 	snop  }
0x3c: {  	p2 =	seq.s32 s10, $0x1;
	s10 =	sld [smem:$0x3FB8]  }
0x3d: {  	_ =	shalt  }
0x3e: {  	_ =	shalt  }
0x3f: {  	_ =	shalt  }
0x40: {  	_ =	shalt  }
0x41: {  	_ =	shalt  }
0x42: {  	_ =	shalt  }
0x43: {  	_ =	shalt  }
0x44: {  	_ =	shalt  }
0x45: {  	_ =	shalt  }
0x46: {  	_ =	shalt  }
0x47: {  	_ =	shalt  }
0x48: {  	_ =	shalt  }
0x49: {  	_ =	shalt  }
0x4a: {  	_ =	shalt  }
0x4b: {  	_ =	shalt  }
0x4c: {  	_ =	shalt  }
0x4d: {  	_ =	shalt  }
0x4e: {  	_ =	shalt  }
0x4f: {  	_ =	shalt  }
0x50: {  	_ =	shalt  }
0x51: {  	_ =	shalt  }
0x52: {  	_ =	shalt  }
0x53: {  	_ =	shalt  }
0x54: {  	_ =	shalt  }
0x55: {  	_ =	shalt  }
0x56: {  	_ =	shalt  }
0x57: {  	_ =	shalt  }
0x58: {  	_ =	shalt  }
0x59: {  	_ =	shalt  }
0x5a: {  	_ =	shalt  }
0x5b: {  	_ =	shalt  }
0x5c: {  	_ =	shalt  }
0x5d: {  	_ =	shalt  }
0x5e: {  	_ =	shalt  }
0x5f: {  	_ =	shalt  }
0x60: {  	_ =	shalt  }
0x61: {  	_ =	shalt  }
0x62: {  	_ =	shalt  }
0x63: {  	_ =	shalt  }
0x64: {  	_ =	shalt  }
0x65: {  	_ =	shalt  }
0x66: {  	_ =	shalt  }
0x67: {  	_ =	shalt  }
0x68: {  	_ =	shalt  }
0x69: {  	_ =	shalt  }
0x6a: {  	_ =	shalt  }
0x6b: {  	_ =	shalt  }
0x6c: {  	_ =	shalt  }
0x6d: {  	_ =	shalt  }
0x6e: {  	_ =	shalt  }
0x6f: {  	_ =	shalt  }
0x70: {  	_ =	shalt  }
0x71: {  	_ =	shalt  }
0x72: {  	_ =	shalt  }
0x73: {  	_ =	shalt  }
0x74: {  	_ =	shalt  }
0x75: {  	_ =	shalt  }
0x76: {  	_ =	shalt  }
0x77: {  	_ =	shalt  }
0x78: {  	_ =	shalt  }
0x79: {  	_ =	shalt  }
0x7a: {  	_ =	shalt  }
0x7b: {  	_ =	shalt  }
0x7c: {  	_ =	shalt  }
0x7d: {  	_ =	shalt  }
0x7e: {  	_ =	shalt  }
0x7f: {  	_ =	shalt  }
0x80: {  	_ =	shalt  }
0x81: {  	_ =	shalt  }
0x82: {  	_ =	shalt  }
0x83: {  	_ =	shalt  }
0x84: {  	_ =	shalt  }
0x85: {  	_ =	shalt  }
0x86: {  	_ =	shalt  }
0x87: {  	_ =	shalt  }
.Lfunc_end0:
.L_simem_size_0:
called_computation_lowered:
.L_overlay_start_0:
0x88: {  	s2 =	sld [smem:$0x3FD9]  }
0x89: {  	s3 =	sld [smem:$0x3FFE];
	_ =	sdelay $0x1  }
0x8a: {  	s1 =	srdreg.scid  }
0x8b: {  	s0 =	sand.u32 $0x1, s1  }
0x8c: {  	s17 =	sshll.u32 s0, $0xA;
	s2 =	sadd.s32 s3, s2  }
0x8d: {  	s2 =	sadd.s32 s2, s17  }
0x8e: {  	[smem:$0x3FC4] =	sst s2  }
0x8f: {  	_ = 	snop  }
0x90: {  	s2 =	sld [smem:$0x3FC8]  }
0x91: {  	s18 =	sld [smem:$0x3FC7]  }
0x92: {  	s4 =	sld [smem:$0x3FC6]  }
0x93: {  	s5 =	sld [smem:$0x3FD0];
	(tm) =	ssettm $0x1  }
0x94: {  	s6 =	sld [smem:$0x3FFB];
	_ =	sdelay $0x3  }
0x95: {  	_ =	strace s6  }
0x96: {  	s6 =	sld [smem:$0x3FFC];
	_ =	sdelay $0x3  }
0x97: {  	_ =	strace s6  }
0x98: {  	s6 =	sld [smem:$0x3FFD];
	_ =	sdelay $0x3  }
0x99: {  	_ =	strace s6  }
0x9a: {  	_ =	strace $0x8FFFFFFF  }
0x9b: {  	s19 =	sld [smem:$0x3FDB];
	_ =	sdelay $0x1  }
0x9c: {  	s7 =	simm.s32 $_scs_section_size  }
0x9d: {  	s8 =	simm.s32 $_size__tile_overlayer_lowered;
	s9 =	simm.s32 $_tile_overlayer_lowered  }
0x9e: {  	s22 =	simm.s32 $0x1BFF;
	s21 =	sshll.u32 s9, $0x1;
	s6 =	sadd.s32 s7, s19  }
0x9f: {  	s10 =	simm.s32 $0x0;
	s20 =	sshll.u32 s8, $0x1;
	s8 =	sadd.s32 s21, s6  }
0xa0: {  	[timem:s10], [sflag:s22] =	dma.local [hbm:s8], s20  }
0xa1: {  	_ =	swait.ge [sflag:s22], s20  }
0xa2: {  	s7 =	ssub.s32 $0x0, s20;
	[sflag:s22] =	ssyncset.done $0x0  }
0xa3: {  	[sflag:s22] =	ssyncadd.s32 s7;
	_ =	sdelay $0x1  }
0xa4: {  	s23 =	simm.s32 $0x1B8B  }
0xa5: {  	_ =	swait.ge [sflag:s23], $0x1  }
0xa6: {  	[sflag:s23] =	ssyncset.done $0x0  }
0xa7: {  	s25 =	simm.s32 $0x1B8E;
	s24 =	sld [smem:$0x3FFE];
	[sflag:s23] =	ssyncadd.s32 $0xFFFFFFFF  }
0xa8: {  	s26 =	simm.s32 $execute0_lowered;
	[smem:$0x3FD2] =	sst s25  }
0xa9: {  	s8 =	sshll.u32 s26, $0x1;
	_ =	strace $0x80000046;
	[dreg:$0x1] =	wrdreg $0xFFFFFFFF  }
0xaa: {  	s28 =	simm.s32 $_size_execute0_lowered;
	s6 =	sadd.s32 s6, s8;
	[dreg:$0x0] =	wrdreg $0x0  }
0xab: {  	s8 =	sshll.u32 s28, $0x1;
	[dreg:$0x2] =	wrdreg s6  }
0xac: {  	[dreg:$0x3] =	wrdreg s8  }
0xad: {  	[dreg:$0x4] =	wrdreg $0xC0  }
0xae: {  	_ =	task [dreg:s10], $0x5FFFF  }
0xaf: {  	[dreg:$0x1] =	wrdreg $0xFFFFFFFF  }
0xb0: {  	[dreg:$0x0] =	wrdreg $0x60  }
0xb1: {  	[dreg:$0x2] =	wrdreg s24  }
0xb2: {  	[dreg:$0x3] =	wrdreg s2  }
0xb3: {  	[dreg:$0x4] =	wrdreg s18  }
0xb4: {  	[dreg:$0x5] =	wrdreg s4  }
0xb5: {  	[dreg:$0x6] =	wrdreg s5  }
0xb6: {  	[dreg:$0x7] =	wrdreg $0x9  }
0xb7: {  	_ =	task.clear_ibuf [dreg:s10], $0x8FFFF;
	_ =	strace $0x90000046  }
0xb8: {  	s29 =	simm.s32 $0x9;
	_ =	strace $0x80000048  }
0xb9: {  	_ =	swait.ge [sflag:s29], $0x1  }
0xba: {  	[sflag:s29] =	ssyncadd.s32 $0xFFFFFFFF  }
0xbb: {  	_ =	strace $0x90000048  }
0xbc: {  	_ =	sfence  }
0xbd: {  	s30 =	sld [smem:$0x0];
	_ =	sdelay $0x2  }
0xbe: {  	s31 =	sshll.u32 s1, $0xD;
	s1 =	sshrl.u32 s1, $0x2  }
0xbf: {  	s3 =	sand.u32 $0x4000, s31;
	s1 =	sadd.s32 s1, s30  }
0xc0: {  	s0 =	sor.u32 s3, s0;
	s1 =	sshll.u32 s1, $0x11  }
0xc1: {  	s0 =	sor.u32 s1, s0  }
0xc2: {  	s0 =	sadd.s32 $0x8F2B, s0  }
0xc3: {  	[sflag:s0] =	ssyncadd.remote.s32 $0x1  }
0xc4: {  	_ =	sfence.sel $0xFFFF  }
0xc5: {  	[dreg:$0x0] =	wrdreg $0xFFFFFFFF;
	(pc) =	sbr.abs _section_cstart, $3  }
0xc6: {  	[dreg:$0x1] =	wrdreg $0xFFFFFFFF  }
0xc7: {  	_ =	task.clear_ibuf [dreg:s10], $0x2FFFF;
	_ =	strace $0x9FFFFFFF  }
0xc8: {  	(tm) =	ssettm $0x7FFFFFFF  }
0xc9: {  	_ =	shalt  }
tec
execute0_lowered:
.L_overlay_start_1:
0x0: {  	(tag) =	ssettag $0x1  }
0x1: {  	s0 =	rddreg [dreg:$0x0]  }
0x2: {  	s2 =	rddreg [dreg:$0x1]  }
0x3: {  	s1 =	rddreg [dreg:$0x2]  }
0x4: {  	s3 =	srdreg.scid;
	s4 =	stileid.u32;
	s10 =	simm.s32 $0xA  }
0x5: {  	s14 =	simm.s32 $0x9;
	s15 =	simm.s32 $0x80;
	s16 =	simm.s32 $0x2980  }
0x6: {  	s17 =	simm.s32 $0x48;
	s20 =	simm.s32 $0x8D80;
	s24 =	simm.s32 $0xF180  }
0x7: {  	s29 =	simm.s32 $0x15580;
	s31 =	simm.s32 $0x19580;
	s12 =	simm.s32 $0x4  }
0x8: {  	s13 =	simm.s32 $0x5;
	s18 =	simm.s32 $0x6;
	s19 =	simm.s32 $0x7  }
0x9: {  	s21 =	simm.s32 $0x8;
	s3 =	sand.u32 $0x1, s3;
	s5 =	sshll.u32 s4, $0x1  }
0xa: {  	s22 =	simm.s32 $0x0;
	s4 =	rddreg [dreg:$0x4];
	s7 =	sor.u32 s3, s5  }
0xb: {  	s5 =	simm.s32 $0x0;
	s3 =	ssub.s32 $0x2, s3;
	s6 =	smul.u32 $0x320, s7  }
.Ltmp0:
0xc: {  	[smem:$0x7FF] =	sst s5;
	s30 =	sshrl.u32 s3, $0x1;
	(pc) =	sbr.rel .LBB2_1-.Ltmp0, $4  }
0xd: {  	s8 =	sshll.u32 s7, $0x2;
	_ =	strace $0x80000047;
	s3 =	ssub.s32 s3, s30  }
0xe: {  	s8 =	sadd.s32 s2, s8;
	s2 =	simm.s32 $0x1;
	s0 =	sadd.s32 s6, s0  }
0xf: {  	s6 =	sshll.u32 s7, $0x5;
	s9 =	smax.u32 s3, $0x1;
	s0 =	sadd.s32 $0x400, s0  }
0x10: {  	s3 =	simm.s32 $0x3;
	[dreg:$0x6] =	wrdreg s0;
	s0 =	simm.s32 $0x2  }
.LBB2_12:
0x11: {  	_ =	swait.ge [sflag:s13], $0x6400  }
0x12: {  	[sflag:s13] =	ssyncset.done $0x0  }
0x13: {  	[sflag:s13] =	ssyncadd.s32 $0xFFFF9C00  }
0x14: {  	_ =	swait.ge [sflag:s18], $0x6400  }
0x15: {  	[sflag:s18] =	ssyncset.done $0x0  }
0x16: {  	s22 =	sadd.s32 $0x1, s22;
	[sflag:s18] =	ssyncadd.s32 $0xFFFF9C00  }
0x17: {  	p0 =	sne.s32 s22, s9;
	_ =	swait.ge [sflag:s19], $0x6400  }
.Ltmp1:
0x18: {  	[sflag:s19] =	ssyncset.done $0x0;
	(pc) =	sbr.rel @!p0 .LBB2_13-.Ltmp1, $4  }
0x19: {  	[sflag:s19] =	ssyncadd.s32 $0xFFFF9C00  }
0x1a: {  	_ =	swait.ge [sflag:s21], $0x6400  }
0x1b: {  	[sflag:s21] =	ssyncset.done $0x0  }
0x1c: {  	[sflag:s21] =	ssyncadd.s32 $0xFFFF9C00  }
.LBB2_1:
0x1d: {  	s7 =	rddreg [dreg:$0x6]  }
0x1e: {  	[tilespmem:s5], [sflag:$0xA] =	stream.linear.gather [hbm4b:s7+s5], $0x1900, $0x38;
	[tilespmem:$0x1B980] =	vst v63  }
0x1f: {  	_ =	swait.ge [sflag:s10], $0x1900  }
0x20: {  	[sflag:s10] =	ssyncset.done $0x0  }
0x21: {  	s11 =	simm.s32 $0x1900;
	[sflag:s10] =	ssyncadd.s32 $0xFFFFE700  }
0x22: {  	[tilespmem:s11], [sflag:$0xA] =	stream.linear.gather [hbm4b:s8+s5], $0x20, $0x38;
	[tilespmem:$0x1B980] =	vst v63  }
0x23: {  	_ =	swait.ge [sflag:s10], $0x20  }
0x24: {  	[sflag:s10] =	ssyncset.done $0x0  }
0x25: {  	[sflag:s10] =	ssyncadd.s32 $0xFFFFFFE0  }
0x26: {  	s23 =	simm.s32 $0x20;
	s25 =	simm.s32 $0x1980;
	s30 =	rddreg [dreg:$0x3]  }
0x27: {  	[tilespmem:s25], [sflag:$0x9] =	stream.indirect.gather [hbm4b:s30+s23], $0x80, s11, s23, $0xb8;
	[tilespmem:$0x1B980] =	vst v63  }
0x28: {  	_ =	swait.ge [sflag:s14], $0x1000  }
0x29: {  	[sflag:s14] =	ssyncset.done $0x0  }
0x2a: {  	[sflag:s14] =	ssyncadd.s32 $0xFFFFF000  }
0x2b: {  	[tilespmem:s16], [sflag:$0x1] =	stream.indirect.gather [hbm4b:s1+s15], $0x80, s5, s15, $0xb8;
	[tilespmem:$0x1B980] =	vst v63  }
0x2c: {  	s25 =	simm.s32 $0x6980  }
0x2d: {  	[tilespmem:s25], [sflag:$0x1] =	stream.indirect.gather [hbm4b:s1+s17], $0x80, s15, s17, $0xb8;
	[tilespmem:$0x1B980] =	vst v63  }
0x2e: {  	s26 =	simm.s32 $0xC8  }
0x2f: {  	[tilespmem:s20], [sflag:$0x2] =	stream.indirect.gather [hbm4b:s1+s15], $0x80, s26, s15, $0xb8;
	[tilespmem:$0x1B980] =	vst v63  }
0x30: {  	s28 =	simm.s32 $0x148;
	s30 =	simm.s32 $0xCD80  }
0x31: {  	[tilespmem:s30], [sflag:$0x2] =	stream.indirect.gather [hbm4b:s1+s17], $0x80, s28, s17, $0xb8;
	[tilespmem:$0x1B980] =	vst v63  }
0x32: {  	s23 =	simm.s32 $0x190  }
0x33: {  	[tilespmem:s24], [sflag:$0x3] =	stream.indirect.gather [hbm4b:s1+s15], $0x80, s23, s15, $0xb8;
	[tilespmem:$0x1B980] =	vst v63  }
0x34: {  	s25 =	simm.s32 $0x210;
	s26 =	simm.s32 $0x13180  }
0x35: {  	[tilespmem:s26], [sflag:$0x3] =	stream.indirect.gather [hbm4b:s1+s17], $0x80, s25, s17, $0xb8;
	[tilespmem:$0x1B980] =	vst v63  }
0x36: {  	s28 =	simm.s32 $0x258  }
0x37: {  	[tilespmem:s29], [sflag:$0x4] =	stream.indirect.gather [hbm4b:s1+s15], $0x80, s28, s15, $0xb8;
	[tilespmem:$0x1B980] =	vst v63  }
0x38: {  	s30 =	simm.s32 $0x2D8;
	s23 =	simm.s32 $0x0  }
0x39: {  	[tilespmem:s31], [sflag:$0x4] =	stream.indirect.gather [hbm4b:s1+s17], $0x80, s30, s17, $0xb8;
	[tilespmem:$0x1B980] =	vst v63  }
.LBB2_2:
0x3a: {  	_ =	swait.ge [sflag:s2], $0x4000  }
0x3b: {  	[sflag:s2] =	ssyncset.done $0x0  }
0x3c: {  	[sflag:s2] =	ssyncadd.s32 $0xFFFFC000  }
0x3d: {  	_ =	swait.ge [sflag:s2], $0x2400  }
0x3e: {  	s11 =	sshll.u32 s23, $0x9;
	[sflag:s2] =	ssyncset.done $0x0  }
0x3f: {  	s11 =	sand.u32 $0x3FFFFE00, s11;
	[sflag:s2] =	ssyncadd.s32 $0xFFFFDC00  }
0x40: {  	v6 =	vld [tilespmem:s11+$0x1980]  }
0x41: {  	v7 =	vld [tilespmem:s11+$0x1990]  }
0x42: {  	v5 =	vld [tilespmem:s11+$0x19A0]  }
0x43: {  	v4 =	vld [tilespmem:s11+$0x19B0]  }
0x44: {  	v3 =	vld [tilespmem:s11+$0x19C0]  }
0x45: {  	v2 =	vld [tilespmem:s11+$0x19D0]  }
0x46: {  	v1 =	vld [tilespmem:s11+$0x19E0]  }
0x47: {  	s26 =	simm.s32 $0x0;
	v0 =	vld [tilespmem:s11+$0x19F0]  }
0x48: {  	v10 =	vld [tilespmem:s26+$0x2980]  }
0x49: {  	v13 =	vld [tilespmem:s26+$0x2990]  }
0x4a: {  	v12 =	vld [tilespmem:s26+$0x29A0]  }
0x4b: {  	v11 =	vld [tilespmem:s26+$0x29B0]  }
0x4c: {  	v8 =	vld [tilespmem:s26+$0x29C0]  }
0x4d: {  	v9 =	vld [tilespmem:s26+$0x29D0];
	v14 =	vadd.f32 v10, v6  }
0x4e: {  	s25 =	simm.s32 $0x200;
	v13 =	vadd.f32 v13, v7;
	v10 =	vld [tilespmem:s26+$0x29E0]  }
.LBB2_3:
0x4f: {  	s11 =	sshra.s32 s25, $0x2;
	p0 =	sne.s32 s25, $0x18E00;
	[tilespmem:s26+$0x2980] =	vst v14;
	v12 =	vadd.f32 v12, v5;
	v14 =	vld [tilespmem:s26+$0x29F0]  }
0x50: {  	v15 =	vld [tilespmem:s11+$0x2980];
	[tilespmem:s26+$0x2990] =	vst v13;
	v11 =	vadd.f32 v11, v4  }
0x51: {  	v13 =	vld [tilespmem:s11+$0x2990];
	[tilespmem:s26+$0x29A0] =	vst v12;
	v8 =	vadd.f32 v8, v3  }
.Ltmp2:
0x52: {  	v12 =	vld [tilespmem:s11+$0x29A0];
	[tilespmem:s26+$0x29B0] =	vst v11;
	v9 =	vadd.f32 v9, v2;
	(pc) =	sbr.rel @p0 .LBB2_3-.Ltmp2, $4  }
0x53: {  	v11 =	vld [tilespmem:s11+$0x29B0];
	[tilespmem:s26+$0x29C0] =	vst v8;
	v10 =	vadd.f32 v10, v1  }
0x54: {  	v8 =	vld [tilespmem:s11+$0x29C0];
	[tilespmem:s26+$0x29D0] =	vst v9;
	v16 =	vadd.f32 v14, v0  }
0x55: {  	v14 =	vadd.f32 v15, v6;
	v9 =	vld [tilespmem:s11+$0x29D0];
	[tilespmem:s26+$0x29E0] =	vst v10  }
0x56: {  	s25 =	sadd.s32 $0x200, s25;
	v13 =	vadd.f32 v13, v7;
	v10 =	vld [tilespmem:s11+$0x29E0];
	[tilespmem:s26+$0x29F0] =	vst v16;
	s26 =	smov.u32 s11  }
0x57: {  	[tilespmem:s26+$0x2980] =	vst v14;
	v5 =	vadd.f32 v12, v5;
	v6 =	vld [tilespmem:s26+$0x29F0]  }
0x58: {  	[tilespmem:s26+$0x2990] =	vst v13;
	v4 =	vadd.f32 v11, v4  }
0x59: {  	[tilespmem:s26+$0x29A0] =	vst v5;
	v3 =	vadd.f32 v8, v3  }
0x5a: {  	s25 =	sshll.u32 s23, $0x2;
	[tilespmem:s26+$0x29B0] =	vst v4;
	v2 =	vadd.f32 v9, v2  }
0x5b: {  	s11 =	sadd.s32 s6, s25;
	[tilespmem:s26+$0x29C0] =	vst v3;
	v1 =	vadd.f32 v10, v1  }
0x5c: {  	s11 =	smul.u32 $0xC80, s11;
	[tilespmem:s26+$0x29D0] =	vst v2;
	v0 =	vadd.f32 v6, v0  }
0x5d: {  	[tilespmem:s26+$0x29E0] =	vst v1  }
0x5e: {  	p0 =	seq.s32 s23, $0x7;
	s11 =	sadd.s32 s4, s11;
	[tilespmem:s26+$0x29F0] =	vst v0  }
0x5f: {  	[hbm4b:s11+s5] =	stream.linear.scatter [tilespmem:s16], [sflag:$0x5], $0x6400, $0x38;
	[tilespmem:$0x1B980] =	vst v63  }
0x60: {  	s26 =	smul.u32 @!p0 $0xC80, s23;
	s11 =	simm.s32 @!p0 $0x5  }
0x61: {  	_ =	swait.ge @!p0 [sflag:s11], $0x6400  }
0x62: {  	s28 =	simm.s32 @!p0 $0x80;
	s26 =	sshra.s32 @!p0 s26, $0x2;
	[sflag:s11] =	ssyncset.done @!p0 $0x0  }
0x63: {  	s30 =	simm.s32 @!p0 $0x2980;
	[sflag:s11] =	ssyncadd.s32 @!p0 $0xFFFF9C00;
	s11 =	sadd.s32 @!p0 $0x320, s26  }
0x64: {  	[tilespmem:s30], [sflag:$0x1] =	stream.indirect.gather @!p0 [hbm4b:s1+s28], $0x80, s11, s28, $0xb8;
	[tilespmem:$0x1B980] =	vst v63  }
0x65: {  	s11 =	sadd.s32 @!p0 $0x3A0, s26;
	s28 =	simm.s32 @!p0 $0x48;
	s30 =	simm.s32 @!p0 $0x6980  }
0x66: {  	[tilespmem:s30], [sflag:$0x1] =	stream.indirect.gather @!p0 [hbm4b:s1+s28], $0x80, s11, s28, $0xb8;
	[tilespmem:$0x1B980] =	vst v63  }
0x67: {  	_ =	swait.ge [sflag:s0], $0x4000  }
0x68: {  	[sflag:s0] =	ssyncset.done $0x0  }
0x69: {  	[sflag:s0] =	ssyncadd.s32 $0xFFFFC000  }
0x6a: {  	s28 =	sor.u32 $0x1, s25;
	_ =	swait.ge [sflag:s0], $0x2400  }
0x6b: {  	s7 =	sshll.u32 s28, $0x7;
	[sflag:s0] =	ssyncset.done $0x0  }
0x6c: {  	s11 =	sand.u32 $0x3FFFFF80, s7;
	[sflag:s0] =	ssyncadd.s32 $0xFFFFDC00  }
0x6d: {  	v6 =	vld [tilespmem:s11+$0x1980]  }
0x6e: {  	v7 =	vld [tilespmem:s11+$0x1990]  }
0x6f: {  	v5 =	vld [tilespmem:s11+$0x19A0]  }
0x70: {  	v4 =	vld [tilespmem:s11+$0x19B0]  }
0x71: {  	v3 =	vld [tilespmem:s11+$0x19C0]  }
0x72: {  	v2 =	vld [tilespmem:s11+$0x19D0]  }
0x73: {  	v1 =	vld [tilespmem:s11+$0x19E0]  }
0x74: {  	s30 =	simm.s32 $0x0;
	v0 =	vld [tilespmem:s11+$0x19F0]  }
0x75: {  	v11 =	vld [tilespmem:s30+$0x8D80]  }
0x76: {  	v13 =	vld [tilespmem:s30+$0x8D90]  }
0x77: {  	v12 =	vld [tilespmem:s30+$0x8DA0]  }
0x78: {  	v10 =	vld [tilespmem:s30+$0x8DB0]  }
0x79: {  	v8 =	vld [tilespmem:s30+$0x8DC0]  }
0x7a: {  	v9 =	vld [tilespmem:s30+$0x8DD0];
	v14 =	vadd.f32 v11, v6  }
0x7b: {  	s11 =	simm.s32 $0x200;
	v13 =	vadd.f32 v13, v7;
	v11 =	vld [tilespmem:s30+$0x8DE0]  }
.LBB2_5:
0x7c: {  	s7 =	sshra.s32 s11, $0x2;
	p1 =	sne.s32 s11, $0x18E00;
	[tilespmem:s30+$0x8D80] =	vst v14;
	v12 =	vadd.f32 v12, v5;
	v14 =	vld [tilespmem:s30+$0x8DF0]  }
0x7d: {  	v15 =	vld [tilespmem:s7+$0x8D80];
	[tilespmem:s30+$0x8D90] =	vst v13;
	v10 =	vadd.f32 v10, v4  }
0x7e: {  	v13 =	vld [tilespmem:s7+$0x8D90];
	[tilespmem:s30+$0x8DA0] =	vst v12;
	v8 =	vadd.f32 v8, v3  }
.Ltmp3:
0x7f: {  	v12 =	vld [tilespmem:s7+$0x8DA0];
	[tilespmem:s30+$0x8DB0] =	vst v10;
	v9 =	vadd.f32 v9, v2;
	(pc) =	sbr.rel @p1 .LBB2_5-.Ltmp3, $4  }
0x80: {  	v10 =	vld [tilespmem:s7+$0x8DB0];
	[tilespmem:s30+$0x8DC0] =	vst v8;
	v11 =	vadd.f32 v11, v1  }
0x81: {  	v8 =	vld [tilespmem:s7+$0x8DC0];
	[tilespmem:s30+$0x8DD0] =	vst v9;
	v16 =	vadd.f32 v14, v0  }
0x82: {  	v14 =	vadd.f32 v15, v6;
	v9 =	vld [tilespmem:s7+$0x8DD0];
	[tilespmem:s30+$0x8DE0] =	vst v11  }
0x83: {  	s11 =	sadd.s32 $0x200, s11;
	v13 =	vadd.f32 v13, v7;
	v11 =	vld [tilespmem:s7+$0x8DE0];
	[tilespmem:s30+$0x8DF0] =	vst v16;
	s30 =	smov.u32 s7  }
0x84: {  	[tilespmem:s30+$0x8D80] =	vst v14;
	v5 =	vadd.f32 v12, v5;
	v6 =	vld [tilespmem:s30+$0x8DF0]  }
0x85: {  	[tilespmem:s30+$0x8D90] =	vst v13;
	v4 =	vadd.f32 v10, v4  }
0x86: {  	[tilespmem:s30+$0x8DA0] =	vst v5;
	v3 =	vadd.f32 v8, v3  }
0x87: {  	[tilespmem:s30+$0x8DB0] =	vst v4;
	v2 =	vadd.f32 v9, v2  }
0x88: {  	s7 =	sadd.s32 s6, s28;
	[tilespmem:s30+$0x8DC0] =	vst v3;
	v1 =	vadd.f32 v11, v1  }
0x89: {  	s7 =	smul.u32 $0xC80, s7;
	[tilespmem:s30+$0x8DD0] =	vst v2;
	v0 =	vadd.f32 v6, v0  }
0x8a: {  	[tilespmem:s30+$0x8DE0] =	vst v1  }
0x8b: {  	s7 =	sadd.s32 s4, s7;
	[tilespmem:s30+$0x8DF0] =	vst v0  }
0x8c: {  	[hbm4b:s7+s5] =	stream.linear.scatter [tilespmem:s20], [sflag:$0x6], $0x6400, $0x38;
	[tilespmem:$0x1B980] =	vst v63  }
0x8d: {  	s7 =	simm.s32 @!p0 $0x6  }
0x8e: {  	_ =	swait.ge @!p0 [sflag:s7], $0x6400  }
0x8f: {  	s11 =	simm.s32 @!p0 $0x80;
	[sflag:s7] =	ssyncset.done @!p0 $0x0  }
0x90: {  	s28 =	simm.s32 @!p0 $0x8D80;
	[sflag:s7] =	ssyncadd.s32 @!p0 $0xFFFF9C00;
	s7 =	sadd.s32 @!p0 $0x3E8, s26  }
0x91: {  	[tilespmem:s28], [sflag:$0x2] =	stream.indirect.gather @!p0 [hbm4b:s1+s11], $0x80, s7, s11, $0xb8;
	[tilespmem:$0x1B980] =	vst v63  }
0x92: {  	s7 =	sadd.s32 @!p0 $0x468, s26;
	s11 =	simm.s32 @!p0 $0x48;
	s28 =	simm.s32 @!p0 $0xCD80  }
0x93: {  	[tilespmem:s28], [sflag:$0x2] =	stream.indirect.gather @!p0 [hbm4b:s1+s11], $0x80, s7, s11, $0xb8;
	[tilespmem:$0x1B980] =	vst v63  }
0x94: {  	_ =	swait.ge [sflag:s3], $0x4000  }
0x95: {  	[sflag:s3] =	ssyncset.done $0x0  }
0x96: {  	[sflag:s3] =	ssyncadd.s32 $0xFFFFC000  }
0x97: {  	s28 =	sor.u32 $0x2, s25;
	_ =	swait.ge [sflag:s3], $0x2400  }
0x98: {  	s11 =	sshll.u32 s28, $0x7;
	[sflag:s3] =	ssyncset.done $0x0  }
0x99: {  	s7 =	sand.u32 $0x3FFFFF80, s11;
	[sflag:s3] =	ssyncadd.s32 $0xFFFFDC00  }
0x9a: {  	v6 =	vld [tilespmem:s7+$0x1980]  }
0x9b: {  	v7 =	vld [tilespmem:s7+$0x1990]  }
0x9c: {  	v5 =	vld [tilespmem:s7+$0x19A0]  }
0x9d: {  	v4 =	vld [tilespmem:s7+$0x19B0]  }
0x9e: {  	v3 =	vld [tilespmem:s7+$0x19C0]  }
0x9f: {  	v2 =	vld [tilespmem:s7+$0x19D0]  }
0xa0: {  	v1 =	vld [tilespmem:s7+$0x19E0]  }
0xa1: {  	s30 =	simm.s32 $0x0;
	v0 =	vld [tilespmem:s7+$0x19F0]  }
0xa2: {  	v11 =	vld [tilespmem:s30+$0xF180]  }
0xa3: {  	v13 =	vld [tilespmem:s30+$0xF190]  }
0xa4: {  	v12 =	vld [tilespmem:s30+$0xF1A0]  }
0xa5: {  	v10 =	vld [tilespmem:s30+$0xF1B0]  }
0xa6: {  	v8 =	vld [tilespmem:s30+$0xF1C0]  }
0xa7: {  	v9 =	vld [tilespmem:s30+$0xF1D0];
	v14 =	vadd.f32 v11, v6  }
0xa8: {  	s11 =	simm.s32 $0x200;
	v13 =	vadd.f32 v13, v7;
	v11 =	vld [tilespmem:s30+$0xF1E0]  }
.LBB2_7:
0xa9: {  	s7 =	sshra.s32 s11, $0x2;
	p1 =	sne.s32 s11, $0x18E00;
	[tilespmem:s30+$0xF180] =	vst v14;
	v12 =	vadd.f32 v12, v5;
	v14 =	vld [tilespmem:s30+$0xF1F0]  }
0xaa: {  	v15 =	vld [tilespmem:s7+$0xF180];
	[tilespmem:s30+$0xF190] =	vst v13;
	v10 =	vadd.f32 v10, v4  }
0xab: {  	v13 =	vld [tilespmem:s7+$0xF190];
	[tilespmem:s30+$0xF1A0] =	vst v12;
	v8 =	vadd.f32 v8, v3  }
.Ltmp4:
0xac: {  	v12 =	vld [tilespmem:s7+$0xF1A0];
	[tilespmem:s30+$0xF1B0] =	vst v10;
	v9 =	vadd.f32 v9, v2;
	(pc) =	sbr.rel @p1 .LBB2_7-.Ltmp4, $4  }
0xad: {  	v10 =	vld [tilespmem:s7+$0xF1B0];
	[tilespmem:s30+$0xF1C0] =	vst v8;
	v11 =	vadd.f32 v11, v1  }
0xae: {  	v8 =	vld [tilespmem:s7+$0xF1C0];
	[tilespmem:s30+$0xF1D0] =	vst v9;
	v16 =	vadd.f32 v14, v0  }
0xaf: {  	v14 =	vadd.f32 v15, v6;
	v9 =	vld [tilespmem:s7+$0xF1D0];
	[tilespmem:s30+$0xF1E0] =	vst v11  }
0xb0: {  	s11 =	sadd.s32 $0x200, s11;
	v13 =	vadd.f32 v13, v7;
	v11 =	vld [tilespmem:s7+$0xF1E0];
	[tilespmem:s30+$0xF1F0] =	vst v16;
	s30 =	smov.u32 s7  }
0xb1: {  	[tilespmem:s30+$0xF180] =	vst v14;
	v5 =	vadd.f32 v12, v5;
	v6 =	vld [tilespmem:s30+$0xF1F0]  }
0xb2: {  	[tilespmem:s30+$0xF190] =	vst v13;
	v4 =	vadd.f32 v10, v4  }
0xb3: {  	[tilespmem:s30+$0xF1A0] =	vst v5;
	v3 =	vadd.f32 v8, v3  }
0xb4: {  	[tilespmem:s30+$0xF1B0] =	vst v4;
	v2 =	vadd.f32 v9, v2  }
0xb5: {  	s7 =	sadd.s32 s6, s28;
	[tilespmem:s30+$0xF1C0] =	vst v3;
	v1 =	vadd.f32 v11, v1  }
0xb6: {  	s7 =	smul.u32 $0xC80, s7;
	[tilespmem:s30+$0xF1D0] =	vst v2;
	v0 =	vadd.f32 v6, v0  }
0xb7: {  	[tilespmem:s30+$0xF1E0] =	vst v1  }
0xb8: {  	s7 =	sadd.s32 s4, s7;
	[tilespmem:s30+$0xF1F0] =	vst v0  }
0xb9: {  	[hbm4b:s7+s5] =	stream.linear.scatter [tilespmem:s24], [sflag:$0x7], $0x6400, $0x38;
	[tilespmem:$0x1B980] =	vst v63  }
0xba: {  	s7 =	simm.s32 @!p0 $0x7  }
0xbb: {  	_ =	swait.ge @!p0 [sflag:s7], $0x6400  }
0xbc: {  	s11 =	simm.s32 @!p0 $0x80;
	[sflag:s7] =	ssyncset.done @!p0 $0x0  }
0xbd: {  	s28 =	simm.s32 @!p0 $0xF180;
	[sflag:s7] =	ssyncadd.s32 @!p0 $0xFFFF9C00;
	s7 =	sadd.s32 @!p0 $0x4B0, s26  }
0xbe: {  	[tilespmem:s28], [sflag:$0x3] =	stream.indirect.gather @!p0 [hbm4b:s1+s11], $0x80, s7, s11, $0xb8;
	[tilespmem:$0x1B980] =	vst v63  }
0xbf: {  	s7 =	sadd.s32 @!p0 $0x530, s26;
	s11 =	simm.s32 @!p0 $0x48;
	s26 =	simm.s32 @!p0 $0x13180  }
0xc0: {  	[tilespmem:s26], [sflag:$0x3] =	stream.indirect.gather @!p0 [hbm4b:s1+s11], $0x80, s7, s11, $0xb8;
	[tilespmem:$0x1B980] =	vst v63  }
0xc1: {  	_ =	swait.ge [sflag:s12], $0x4000  }
0xc2: {  	[sflag:s12] =	ssyncset.done $0x0  }
0xc3: {  	[sflag:s12] =	ssyncadd.s32 $0xFFFFC000  }
0xc4: {  	s25 =	sor.u32 $0x3, s25;
	_ =	swait.ge [sflag:s12], $0x2400  }
0xc5: {  	s30 =	sshll.u32 s25, $0x7;
	[sflag:s12] =	ssyncset.done $0x0  }
0xc6: {  	s7 =	sand.u32 $0x3FFFFF80, s30;
	[sflag:s12] =	ssyncadd.s32 $0xFFFFDC00  }
0xc7: {  	v6 =	vld [tilespmem:s7+$0x1980]  }
0xc8: {  	v7 =	vld [tilespmem:s7+$0x1990]  }
0xc9: {  	v5 =	vld [tilespmem:s7+$0x19A0]  }
0xca: {  	v4 =	vld [tilespmem:s7+$0x19B0]  }
0xcb: {  	v3 =	vld [tilespmem:s7+$0x19C0]  }
0xcc: {  	v2 =	vld [tilespmem:s7+$0x19D0]  }
0xcd: {  	v1 =	vld [tilespmem:s7+$0x19E0]  }
0xce: {  	s26 =	simm.s32 $0x0;
	v0 =	vld [tilespmem:s7+$0x19F0]  }
0xcf: {  	v11 =	vld [tilespmem:s26+$0x15580]  }
0xd0: {  	v13 =	vld [tilespmem:s26+$0x15590]  }
0xd1: {  	v12 =	vld [tilespmem:s26+$0x155A0]  }
0xd2: {  	v10 =	vld [tilespmem:s26+$0x155B0]  }
0xd3: {  	v8 =	vld [tilespmem:s26+$0x155C0]  }
0xd4: {  	v9 =	vld [tilespmem:s26+$0x155D0];
	v14 =	vadd.f32 v11, v6  }
0xd5: {  	s11 =	simm.s32 $0x200;
	v13 =	vadd.f32 v13, v7;
	v11 =	vld [tilespmem:s26+$0x155E0]  }
.LBB2_9:
0xd6: {  	s7 =	sshra.s32 s11, $0x2;
	p1 =	sne.s32 s11, $0x18E00;
	[tilespmem:s26+$0x15580] =	vst v14;
	v12 =	vadd.f32 v12, v5;
	v14 =	vld [tilespmem:s26+$0x155F0]  }
0xd7: {  	v15 =	vld [tilespmem:s7+$0x15580];
	[tilespmem:s26+$0x15590] =	vst v13;
	v10 =	vadd.f32 v10, v4  }
0xd8: {  	v13 =	vld [tilespmem:s7+$0x15590];
	[tilespmem:s26+$0x155A0] =	vst v12;
	v8 =	vadd.f32 v8, v3  }
.Ltmp5:
0xd9: {  	v12 =	vld [tilespmem:s7+$0x155A0];
	[tilespmem:s26+$0x155B0] =	vst v10;
	v9 =	vadd.f32 v9, v2;
	(pc) =	sbr.rel @p1 .LBB2_9-.Ltmp5, $4  }
0xda: {  	v10 =	vld [tilespmem:s7+$0x155B0];
	[tilespmem:s26+$0x155C0] =	vst v8;
	v11 =	vadd.f32 v11, v1  }
0xdb: {  	v8 =	vld [tilespmem:s7+$0x155C0];
	[tilespmem:s26+$0x155D0] =	vst v9;
	v16 =	vadd.f32 v14, v0  }
0xdc: {  	v14 =	vadd.f32 v15, v6;
	v9 =	vld [tilespmem:s7+$0x155D0];
	[tilespmem:s26+$0x155E0] =	vst v11  }
0xdd: {  	s11 =	sadd.s32 $0x200, s11;
	v13 =	vadd.f32 v13, v7;
	v11 =	vld [tilespmem:s7+$0x155E0];
	[tilespmem:s26+$0x155F0] =	vst v16;
	s26 =	smov.u32 s7  }
0xde: {  	[tilespmem:s26+$0x15580] =	vst v14;
	v5 =	vadd.f32 v12, v5;
	v6 =	vld [tilespmem:s26+$0x155F0]  }
0xdf: {  	[tilespmem:s26+$0x15590] =	vst v13;
	v4 =	vadd.f32 v10, v4  }
0xe0: {  	[tilespmem:s26+$0x155A0] =	vst v5;
	v3 =	vadd.f32 v8, v3  }
0xe1: {  	[tilespmem:s26+$0x155B0] =	vst v4;
	v2 =	vadd.f32 v9, v2  }
.Ltmp6:
0xe2: {  	s7 =	sadd.s32 s6, s25;
	[tilespmem:s26+$0x155C0] =	vst v3;
	v1 =	vadd.f32 v11, v1;
	(pc) =	sbr.rel @p0 .LBB2_12-.Ltmp6, $4  }
0xe3: {  	s7 =	smul.u32 $0xC80, s7;
	[tilespmem:s26+$0x155D0] =	vst v2;
	v0 =	vadd.f32 v6, v0  }
0xe4: {  	[tilespmem:s26+$0x155E0] =	vst v1  }
0xe5: {  	s7 =	sadd.s32 s4, s7;
	[tilespmem:s26+$0x155F0] =	vst v0  }
0xe6: {  	[hbm4b:s7+s5] =	stream.linear.scatter [tilespmem:s29], [sflag:$0x8], $0x6400, $0x38;
	[tilespmem:$0x1B980] =	vst v63  }
0xe7: {  	s7 =	smul.u32 $0xC80, s23  }
0xe8: {  	_ =	swait.ge [sflag:s21], $0x6400  }
.Ltmp7:
0xe9: {  	[sflag:s21] =	ssyncset.done $0x0;
	s7 =	sshra.s32 s7, $0x2;
	(pc) =	sbr.rel .LBB2_2-.Ltmp7, $4  }
0xea: {  	[sflag:s21] =	ssyncadd.s32 $0xFFFF9C00;
	s11 =	sadd.s32 $0x578, s7  }
0xeb: {  	[tilespmem:s29], [sflag:$0x4] =	stream.indirect.gather [hbm4b:s1+s15], $0x80, s11, s15, $0xb8;
	[tilespmem:$0x1B980] =	vst v63  }
0xec: {  	s23 =	sadd.s32 $0x1, s23;
	s7 =	sadd.s32 $0x5F8, s7  }
0xed: {  	[tilespmem:s31], [sflag:$0x4] =	stream.indirect.gather [hbm4b:s1+s17], $0x80, s7, s17, $0xb8;
	[tilespmem:$0x1B980] =	vst v63  }
.LBB2_13:
0xee: {  	_ =	sfence.sel $0x180000  }
0xef: {  	[bflag:$0x0] =	sbarrier.arrive $0xFFFF  }
0xf0: {  	_ =	strace $0x90000047  }
0xf1: {  	s0 =	stileid.u32;
	[bflag:$0x2] =	sbarrier.arrive $0xFFFF  }
0xf2: {  	p0 =	sne.s32 s0, $0x0;
	s0 =	rddreg [dreg:$0x5]  }
0xf3: {  	s0 =	sadd.s32 @!p0 $0x100000, s0  }
0xf4: {  	[sflag:s0] =	ssyncadd.tile.s32 @!p0 $0x1;
	_ =	shalt  }
.Lfunc_end2:
_tile_overlayer_lowered:
.L_overlay_start_2:
0xf5: {  	(tag) =	ssettag $0x2  }
0xf6: {  	s0 =	rddreg [dreg:$0x0];
	s2 =	stileid.u32  }
0xf7: {  	s1 =	rddreg [dreg:$0x1];
	p0 =	sne.s32 s2, $0x0  }
0xf8: {  	s3 =	rddreg [dreg:$0x2];
	[bflag:$0x3] =	sbarrier.arrive $0xFFFF;
	s2 =	simm.s32 @!p0 $0x1C0A  }
0xf9: {  	[timem:s3], [sflag:s2] =	dma.local @!p0 [hbm:s0], s1  }
0xfa: {  	s0 =	simm.s32 @!p0 $0xA  }
0xfb: {  	_ =	swait.ge @!p0 [sflag:s0], s1  }
0xfc: {  	s1 =	ssub.s32 @!p0 $0x0, s1;
	[sflag:s0] =	ssyncset.done @!p0 $0x0  }
0xfd: {  	[sflag:s0] =	ssyncadd.s32 @!p0 s1  }
0xfe: {  	[bflag:$0x3] =	sbarrier.arrive $0xFFFF  }
0xff: {  	_ =	shalt  }

</sc_bundles>
